<compile_context>
chip_gen: v7x
topology: tpu7x:2x2x1
jax: 0.10.2.dev20260603
libtpu: 0.0.44.dev20260713+nightly
codegen_flags: <defaults>
</compile_context>

<pallas_src>
import functools

import jax
import jax.numpy as jnp
from jax import lax
from jax.experimental import pallas as pl
from jax.experimental.pallas import tpu as pltpu
from jax.experimental.pallas import tpu_sc as plsc

_K = 128
_F0 = 0.845


@functools.cache
def _build(N, D, R, E):
    CT = -(-E // _K)
    n0 = max(8, int(round(CT * _F0 / 128)) * 8)
    n0 = min(n0, 64)
    n1 = max(8, 8 * (-(-(CT - 16 * n0) // 128)))
    CH0 = 16 * n0
    LCH = CH0 + 16 * n1
    LCHA = max(LCH, CH0 + 15 * n1 + n0)
    LPAD = LCHA * _K
    NP = -(-(N + 1) // 128) * 128
    ZPT = NP // 16
    BN = 1000

    def tr_body(h_ref, w_ref, o_ref):
        o_ref[0] = jnp.dot(h_ref[...], w_ref[0],
                           preferred_element_type=jnp.float32)

    tc_transform = pl.pallas_call(
        tr_body,
        grid=(N // BN, R),
        in_specs=[
            pl.BlockSpec((BN, D), lambda i, j: (i, 0)),
            pl.BlockSpec((1, D, D), lambda i, j: (j, 0, 0)),
        ],
        out_specs=pl.BlockSpec((1, BN, D), lambda i, j: (j, i, 0)),
        out_shape=jax.ShapeDtypeStruct((R, N, D), jnp.float32),
    )

    mesh = plsc.VectorSubcoreMesh(core_axis_name="c", subcore_axis_name="s")

    @functools.partial(
        pl.kernel,
        out_type=jax.ShapeDtypeStruct((2, NP, D), jnp.float32),
        mesh=mesh,
        scratch_types=[
            pltpu.VMEM((n0, _K), jnp.int32),
            pltpu.VMEM((n0, _K), jnp.int32),
            pltpu.VMEM((_K, D), jnp.float32),
            pltpu.VMEM((_K, D), jnp.float32),
            pltpu.VMEM_SHARED((NP, D), jnp.float32),
            pltpu.SemaphoreType.DMA,
            pltpu.SemaphoreType.DMA,
            pltpu.SemaphoreType.DMA,
        ],
    )
    def sc_msgpass(hall, gix2, dstp2, out, dst_v, gidx_v, rows_a, rows_b,
                   acc, semz, sema, semb):
        c = lax.axis_index("c")
        s = lax.axis_index("s")
        zrow = s * ZPT
        n = jnp.where(c == 0, n0, n1)
        cbase = jnp.where(c == 0, s * n0, CH0 + s * n1)

        cp1 = pltpu.async_copy(gix2.at[pl.ds(cbase, n0)], gidx_v, semz)
        cp2 = pltpu.async_copy(dstp2.at[pl.ds(cbase, n0)], dst_v, semz)

        def zfill(i, carry):
            for j in range(D // 16):
                rows_a[i, pl.ds(j * 16, 16)] = jnp.zeros((16,), jnp.float32)
            return carry
        lax.fori_loop(0, _K, zfill, 0)
        nfull = ZPT // _K
        def zcopy(k, carry):
            pltpu.sync_copy(rows_a, acc.at[pl.ds(zrow + k * _K, _K)])
            return carry
        lax.fori_loop(0, nfull, zcopy, 0)
        rem = ZPT - nfull * _K
        if rem:
            pltpu.sync_copy(rows_a.at[pl.ds(0, rem)],
                            acc.at[pl.ds(zrow + nfull * _K, rem)])
        cp1.wait()
        cp2.wait()
        plsc.subcore_barrier()

        pltpu.async_copy(hall.at[gidx_v.at[0]], rows_a, sema)
        pltpu.async_copy(hall.at[gidx_v.at[1]], rows_b, semb)

        def pair(k, carry):
            pltpu.make_async_copy(hall.at[gidx_v.at[2 * k]],
                                  rows_a, sema).wait()
            pltpu.sync_copy(rows_a, acc.at[dst_v.at[2 * k]], add=True)

            @pl.when(k + 1 < n // 2)
            def _():
                pltpu.async_copy(hall.at[gidx_v.at[2 * k + 2]],
                                 rows_a, sema)

            pltpu.make_async_copy(hall.at[gidx_v.at[2 * k + 1]],
                                  rows_b, semb).wait()
            pltpu.sync_copy(rows_b, acc.at[dst_v.at[2 * k + 1]], add=True)

            @pl.when(k + 1 < n // 2)
            def _():
                pltpu.async_copy(hall.at[gidx_v.at[2 * k + 3]],
                                 rows_b, semb)
            return carry
        lax.fori_loop(0, n // 2, pair, 0)

        plsc.subcore_barrier()
        pltpu.sync_copy(acc.at[pl.ds(zrow, ZPT)],
                        out.at[c, pl.ds(zrow, ZPT)])

    def mk_final(relu):
        def fin_body(p0_ref, p1_ref, h_ref, w_ref, b_ref, o_ref):
            v = (p0_ref[0] + p1_ref[0]
                 + jnp.dot(h_ref[...], w_ref[...],
                           preferred_element_type=jnp.float32)
                 + b_ref[...])
            if relu:
                v = jnp.maximum(v, 0.0)
            o_ref[...] = v

        return pl.pallas_call(
            fin_body,
            grid=(N // BN,),
            in_specs=[
                pl.BlockSpec((1, BN, D), lambda i: (0, i, 0)),
                pl.BlockSpec((1, BN, D), lambda i: (1, i, 0)),
                pl.BlockSpec((BN, D), lambda i: (i, 0)),
                pl.BlockSpec((D, D), lambda i: (0, 0)),
                pl.BlockSpec((1, D), lambda i: (0, 0)),
            ],
            out_specs=pl.BlockSpec((BN, D), lambda i: (i, 0)),
            out_shape=jax.ShapeDtypeStruct((N, D), jnp.float32),
        )

    tc_final_relu = mk_final(True)
    tc_final_lin = mk_final(False)

    def run(x, edge_index, edge_type, W0, Wself0, b0, W1, Wself1, b1):
        pad = LPAD - E
        src = edge_index[0]
        dst = edge_index[1]
        gix = edge_type * N + src
        gix2 = jnp.concatenate(
            [gix, jnp.zeros((pad,), jnp.int32)]).reshape(LCHA, _K)
        dstp2 = jnp.concatenate(
            [dst, jnp.full((pad,), N, jnp.int32)]).reshape(LCHA, _K)
        b0r = b0.reshape(1, D)
        b1r = b1.reshape(1, D)

        hall0 = tc_transform(x, W0).reshape(R * N, D)
        part0 = sc_msgpass(hall0, gix2, dstp2)
        h = tc_final_relu(part0, part0, x, Wself0, b0r)
        hall1 = tc_transform(h, W1).reshape(R * N, D)
        part1 = sc_msgpass(hall1, gix2, dstp2)
        return tc_final_lin(part1, part1, h, Wself1, b1r)

    return run


def kernel(x, edge_index, edge_type, W0, Wself0, b0, W1, Wself1, b1):
    N, D = x.shape
    R = W0.shape[0]
    E = edge_index.shape[1]
    return _build(N, D, R, E)(x, edge_index, edge_type, W0, Wself0, b0,
                              W1, Wself1, b1)

# --- scband reference (transcript-rebuilt; emitter-appended) ---
"""Pipeline reference for scband-embedder-22119081575033 (READ-ONLY COPY).

The authoritative reference and input builder live on the scoring server;
editing this copy changes nothing except your own understanding.
"""

import jax, jax.numpy as jnp
import numpy as np

N = 10000
E = 160000
D = 128
R = 19


def setup_inputs(seed: int = 0) -> dict:
    key = jax.random.key(seed)
    ks = jax.random.split(key, 10)
    x = jax.random.normal(ks[0], (N, D), dtype=jnp.float32)
    edge_index = jax.random.randint(ks[1], (2, E), 0, N, dtype=jnp.int32)
    edge_type = jax.random.randint(ks[2], (E,), 0, R, dtype=jnp.int32)
    # RelGraphConv layer 0: in=128 -> out=128 (num_bases=-1 -> full per-relation weights)
    W0 = jax.random.normal(ks[3], (R, D, D), dtype=jnp.float32) * 0.05
    Wself0 = jax.random.normal(ks[4], (D, D), dtype=jnp.float32) * 0.05
    b0 = jnp.zeros((D,), dtype=jnp.float32)
    # RelGraphConv layer 1 (output conv, activation=None): 128 -> 128
    W1 = jax.random.normal(ks[5], (R, D, D), dtype=jnp.float32) * 0.05
    Wself1 = jax.random.normal(ks[6], (D, D), dtype=jnp.float32) * 0.05
    b1 = jnp.zeros((D,), dtype=jnp.float32)
    return {
        "x": x,
        "edge_index": edge_index,
        "edge_type": edge_type,
        "W0": W0,
        "Wself0": Wself0,
        "b0": b0,
        "W1": W1,
        "Wself1": Wself1,
        "b1": b1,
    }


def _relgraphconv(h, src, dst, etype, W, Wself, b, act):
    # Per-edge message m_e = W_{r(e)} @ h_{src(e)}.
    # Equivalent, gather-friendly form: transform all nodes by every relation,
    # then gather [etype, src]. This matches DGL RelGraphConv with num_bases=None.
    h_all = jnp.einsum('ni,rio->rno', h, W)  # [R, N, out]
    msg = h_all[etype, src]                  # gather -> [E, out]
    agg = jax.ops.segment_sum(msg, dst, num_segments=h.shape[0])  # scatter-add
    out = agg + h @ Wself + b                # self-loop + bias
    if act:
        out = jax.nn.relu(out)
    return out


def reference(x, edge_index, edge_type, W0, Wself0, b0, W1, Wself1, b1):
    src = edge_index[0]
    dst = edge_index[1]
    h = _relgraphconv(x, src, dst, edge_type, W0, Wself0, b0, act=True)
    h = _relgraphconv(h, src, dst, edge_type, W1, Wself1, b1, act=False)
    return h

if __name__ == "__main__":
    import jax
    _d = setup_inputs()
    print(jax.jit(kernel)(*tuple(_d.values())))

</pallas_src>

<mosaic_0001>
#map = affine_map<(d0, d1) -> (0, 0)>
#map1 = affine_map<(d0, d1) -> (0, 0, 0)>
module attributes {stable_mosaic.version = 14 : i64} {
  func.func @sc_msgpass(%arg0: i32, %arg1: i32, %arg2: memref<190000x128xf32, #tpu.memory_space<hbm>>, %arg3: memref<1328x128xi32, #tpu.memory_space<hbm>>, %arg4: memref<1328x128xi32, #tpu.memory_space<hbm>>, %arg5: memref<2x10112x128xf32, #tpu.memory_space<hbm>>, %arg6: memref<64x128xi32, #tpu.memory_space<vmem>>, %arg7: memref<64x128xi32, #tpu.memory_space<vmem>>, %arg8: memref<128x128xf32, #tpu.memory_space<vmem>>, %arg9: memref<128x128xf32, #tpu.memory_space<vmem>>, %arg10: memref<10112x128xf32, #tpu.memory_space<vmem_shared>>, %arg11: memref<!tpu.dma_semaphore, #tpu.memory_space<semaphore_mem>>, %arg12: memref<!tpu.dma_semaphore, #tpu.memory_space<semaphore_mem>>, %arg13: memref<!tpu.dma_semaphore, #tpu.memory_space<semaphore_mem>>) attributes {dimension_semantics = [#tpu.dimension_semantics<core_parallel>, #tpu.dimension_semantics<subcore_parallel>], iteration_bounds = array<i64: 2, 16>, scalar_prefetch = 0 : i64, scratch_operands = 8 : i64, tpu.core_type = #tpu.core_type<sc_vector_subcore>, window_params = [{transform_indices = #map}, {transform_indices = #map}, {transform_indices = #map}, {transform_indices = #map1}]} {
    %mul3A = arith.constant 632 : i32
    %mul3A_0 = arith.muli %arg1, %mul3A : i32
    %eq3A = arith.constant 0 : i32
    %eq3A_1 = arith.cmpi eq, %arg0, %eq3A : i32
    %jit3A = arith.constant 64 : i32
    %jit3A_2 = arith.constant 16 : i32
    %select_n3A = arith.select %eq3A_1, %jit3A, %jit3A_2 : i32
    %eq3A_3 = arith.constant 0 : i32
    %eq3A_4 = arith.cmpi eq, %arg0, %eq3A_3 : i32
    %mul3A_5 = arith.constant 64 : i32
    %mul3A_6 = arith.muli %arg1, %mul3A_5 : i32
    %mul3A_7 = arith.constant 16 : i32
    %mul3A_8 = arith.muli %arg1, %mul3A_7 : i32
    %add3A = arith.constant 1024 : i32
    %add3A_9 = arith.addi %add3A, %mul3A_8 : i32
    %select_n3A_10 = arith.select %eq3A_4, %mul3A_6, %add3A_9 : i32
    %dma_start3A = arith.constant 0 : i32
    %dma_start3A_11 = tpu.memref_slice %arg3[%select_n3A_10, %dma_start3A] : memref<1328x128xi32, #tpu.memory_space<hbm>> -> memref<64x128xi32, #tpu.memory_space<hbm>>
    %dma_start3A_12 = arith.constant 0 : i32
    %dma_start3A_13 = tpu.memref_slice %arg3[%select_n3A_10, %dma_start3A_12] : memref<1328x128xi32, #tpu.memory_space<hbm>> -> memref<64x128xi32, #tpu.memory_space<hbm>>
    tpu.enqueue_dma source(%dma_start3A_13 : memref<64x128xi32, #tpu.memory_space<hbm>>) target(%arg7 : memref<64x128xi32, #tpu.memory_space<vmem>>) target_semaphore(%arg11 : memref<!tpu.dma_semaphore, #tpu.memory_space<semaphore_mem>>)
    %dma_start3A_14 = arith.constant 0 : i32
    %dma_start3A_15 = tpu.memref_slice %arg4[%select_n3A_10, %dma_start3A_14] : memref<1328x128xi32, #tpu.memory_space<hbm>> -> memref<64x128xi32, #tpu.memory_space<hbm>>
    %dma_start3A_16 = arith.constant 0 : i32
    %dma_start3A_17 = tpu.memref_slice %arg4[%select_n3A_10, %dma_start3A_16] : memref<1328x128xi32, #tpu.memory_space<hbm>> -> memref<64x128xi32, #tpu.memory_space<hbm>>
    tpu.enqueue_dma source(%dma_start3A_17 : memref<64x128xi32, #tpu.memory_space<hbm>>) target(%arg6 : memref<64x128xi32, #tpu.memory_space<vmem>>) target_semaphore(%arg11 : memref<!tpu.dma_semaphore, #tpu.memory_space<semaphore_mem>>)
    %scan3A = arith.constant 0 : i32
    %scan3A_18 = arith.constant 0 : i32
    %scan3A_19 = arith.constant 128 : i32
    %scan3A_20 = arith.addi %scan3A_18, %scan3A_19 : i32
    %scan3A_21 = arith.constant 1 : i32
    scf.for %scan3A_80 = %scan3A_18 to %scan3A_20 step %scan3A_21  : i32 {
      %broadcast_in_dim3A = arith.constant 0.000000e+00 : f32
      %broadcast_in_dim3A_81 = vector.broadcast %broadcast_in_dim3A : f32 to vector<16xf32>
      %swap3A = arith.index_cast %scan3A_80 : i32 to index
      %swap3A_82 = arith.constant 0 : index
      %swap3A_83 = tpu.vector_load %arg8[%swap3A, %swap3A_82] {strides = array<i32>} : memref<128x128xf32, #tpu.memory_space<vmem>>, vector<1x16xf32>,
      %swap3A_84 = vector.shape_cast %swap3A_83 : vector<1x16xf32> to vector<16xf32>
      %swap3A_85 = vector.shape_cast %broadcast_in_dim3A_81 : vector<16xf32> to vector<1x16xf32>
      tpu.vector_store %arg8[%swap3A, %swap3A_82], %swap3A_85 {strides = array<i32>} : memref<128x128xf32, #tpu.memory_space<vmem>>, vector<1x16xf32>,
      %broadcast_in_dim3A_86 = arith.constant 0.000000e+00 : f32
      %broadcast_in_dim3A_87 = vector.broadcast %broadcast_in_dim3A_86 : f32 to vector<16xf32>
      %swap3A_88 = arith.index_cast %scan3A_80 : i32 to index
      %swap3A_89 = arith.constant 16 : index
      %swap3A_90 = tpu.vector_load %arg8[%swap3A_88, %swap3A_89] {strides = array<i32>} : memref<128x128xf32, #tpu.memory_space<vmem>>, vector<1x16xf32>,
      %swap3A_91 = vector.shape_cast %swap3A_90 : vector<1x16xf32> to vector<16xf32>
      %swap3A_92 = vector.shape_cast %broadcast_in_dim3A_87 : vector<16xf32> to vector<1x16xf32>
      tpu.vector_store %arg8[%swap3A_88, %swap3A_89], %swap3A_92 {strides = array<i32>} : memref<128x128xf32, #tpu.memory_space<vmem>>, vector<1x16xf32>,
      %broadcast_in_dim3A_93 = arith.constant 0.000000e+00 : f32
      %broadcast_in_dim3A_94 = vector.broadcast %broadcast_in_dim3A_93 : f32 to vector<16xf32>
      %swap3A_95 = arith.index_cast %scan3A_80 : i32 to index
      %swap3A_96 = arith.constant 32 : index
      %swap3A_97 = tpu.vector_load %arg8[%swap3A_95, %swap3A_96] {strides = array<i32>} : memref<128x128xf32, #tpu.memory_space<vmem>>, vector<1x16xf32>,
      %swap3A_98 = vector.shape_cast %swap3A_97 : vector<1x16xf32> to vector<16xf32>
      %swap3A_99 = vector.shape_cast %broadcast_in_dim3A_94 : vector<16xf32> to vector<1x16xf32>
      tpu.vector_store %arg8[%swap3A_95, %swap3A_96], %swap3A_99 {strides = array<i32>} : memref<128x128xf32, #tpu.memory_space<vmem>>, vector<1x16xf32>,
      %broadcast_in_dim3A_100 = arith.constant 0.000000e+00 : f32
      %broadcast_in_dim3A_101 = vector.broadcast %broadcast_in_dim3A_100 : f32 to vector<16xf32>
      %swap3A_102 = arith.index_cast %scan3A_80 : i32 to index
      %swap3A_103 = arith.constant 48 : index
      %swap3A_104 = tpu.vector_load %arg8[%swap3A_102, %swap3A_103] {strides = array<i32>} : memref<128x128xf32, #tpu.memory_space<vmem>>, vector<1x16xf32>,
      %swap3A_105 = vector.shape_cast %swap3A_104 : vector<1x16xf32> to vector<16xf32>
      %swap3A_106 = vector.shape_cast %broadcast_in_dim3A_101 : vector<16xf32> to vector<1x16xf32>
      tpu.vector_store %arg8[%swap3A_102, %swap3A_103], %swap3A_106 {strides = array<i32>} : memref<128x128xf32, #tpu.memory_space<vmem>>, vector<1x16xf32>,
      %broadcast_in_dim3A_107 = arith.constant 0.000000e+00 : f32
      %broadcast_in_dim3A_108 = vector.broadcast %broadcast_in_dim3A_107 : f32 to vector<16xf32>
      %swap3A_109 = arith.index_cast %scan3A_80 : i32 to index
      %swap3A_110 = arith.constant 64 : index
      %swap3A_111 = tpu.vector_load %arg8[%swap3A_109, %swap3A_110] {strides = array<i32>} : memref<128x128xf32, #tpu.memory_space<vmem>>, vector<1x16xf32>,
      %swap3A_112 = vector.shape_cast %swap3A_111 : vector<1x16xf32> to vector<16xf32>
      %swap3A_113 = vector.shape_cast %broadcast_in_dim3A_108 : vector<16xf32> to vector<1x16xf32>
      tpu.vector_store %arg8[%swap3A_109, %swap3A_110], %swap3A_113 {strides = array<i32>} : memref<128x128xf32, #tpu.memory_space<vmem>>, vector<1x16xf32>,
      %broadcast_in_dim3A_114 = arith.constant 0.000000e+00 : f32
      %broadcast_in_dim3A_115 = vector.broadcast %broadcast_in_dim3A_114 : f32 to vector<16xf32>
      %swap3A_116 = arith.index_cast %scan3A_80 : i32 to index
      %swap3A_117 = arith.constant 80 : index
      %swap3A_118 = tpu.vector_load %arg8[%swap3A_116, %swap3A_117] {strides = array<i32>} : memref<128x128xf32, #tpu.memory_space<vmem>>, vector<1x16xf32>,
      %swap3A_119 = vector.shape_cast %swap3A_118 : vector<1x16xf32> to vector<16xf32>
      %swap3A_120 = vector.shape_cast %broadcast_in_dim3A_115 : vector<16xf32> to vector<1x16xf32>
      tpu.vector_store %arg8[%swap3A_116, %swap3A_117], %swap3A_120 {strides = array<i32>} : memref<128x128xf32, #tpu.memory_space<vmem>>, vector<1x16xf32>,
      %broadcast_in_dim3A_121 = arith.constant 0.000000e+00 : f32
      %broadcast_in_dim3A_122 = vector.broadcast %broadcast_in_dim3A_121 : f32 to vector<16xf32>
      %swap3A_123 = arith.index_cast %scan3A_80 : i32 to index
      %swap3A_124 = arith.constant 96 : index
      %swap3A_125 = tpu.vector_load %arg8[%swap3A_123, %swap3A_124] {strides = array<i32>} : memref<128x128xf32, #tpu.memory_space<vmem>>, vector<1x16xf32>,
      %swap3A_126 = vector.shape_cast %swap3A_125 : vector<1x16xf32> to vector<16xf32>
      %swap3A_127 = vector.shape_cast %broadcast_in_dim3A_122 : vector<16xf32> to vector<1x16xf32>
      tpu.vector_store %arg8[%swap3A_123, %swap3A_124], %swap3A_127 {strides = array<i32>} : memref<128x128xf32, #tpu.memory_space<vmem>>, vector<1x16xf32>,
      %broadcast_in_dim3A_128 = arith.constant 0.000000e+00 : f32
      %broadcast_in_dim3A_129 = vector.broadcast %broadcast_in_dim3A_128 : f32 to vector<16xf32>
      %swap3A_130 = arith.index_cast %scan3A_80 : i32 to index
      %swap3A_131 = arith.constant 112 : index
      %swap3A_132 = tpu.vector_load %arg8[%swap3A_130, %swap3A_131] {strides = array<i32>} : memref<128x128xf32, #tpu.memory_space<vmem>>, vector<1x16xf32>,
      %swap3A_133 = vector.shape_cast %swap3A_132 : vector<1x16xf32> to vector<16xf32>
      %swap3A_134 = vector.shape_cast %broadcast_in_dim3A_129 : vector<16xf32> to vector<1x16xf32>
      tpu.vector_store %arg8[%swap3A_130, %swap3A_131], %swap3A_134 {strides = array<i32>} : memref<128x128xf32, #tpu.memory_space<vmem>>, vector<1x16xf32>,
    }
    %scan3A_22 = arith.constant 128 : i32
    %scan3A_23 = arith.constant 0 : i32
    %scan3A_24 = arith.constant 0 : i32
    %scan3A_25 = arith.constant 4 : i32
    %scan3A_26 = arith.addi %scan3A_24, %scan3A_25 : i32
    %scan3A_27 = arith.constant 1 : i32
    scf.for %scan3A_80 = %scan3A_24 to %scan3A_26 step %scan3A_27  : i32 {
      %mul3A_81 = arith.constant 128 : i32
      %mul3A_82 = arith.muli %scan3A_80, %mul3A_81 : i32
      %add3A_83 = arith.addi %mul3A_0, %mul3A_82 : i32
      "tpu.region"() ({
        %run_scoped3A = tpu.sem_alloc : memref<!tpu.dma_semaphore, #tpu.memory_space<semaphore_mem>>
        %dma_start3A_84 = arith.constant 0 : i32
        %dma_start3A_85 = tpu.memref_slice %arg10[%add3A_83, %dma_start3A_84] : memref<10112x128xf32, #tpu.memory_space<vmem_shared>> -> memref<128x128xf32, #tpu.memory_space<vmem_shared>>
        %dma_start3A_86 = arith.constant 0 : i32
        %dma_start3A_87 = tpu.memref_slice %arg10[%add3A_83, %dma_start3A_86] : memref<10112x128xf32, #tpu.memory_space<vmem_shared>> -> memref<128x128xf32, #tpu.memory_space<vmem_shared>>
        tpu.enqueue_dma source(%arg8 : memref<128x128xf32, #tpu.memory_space<vmem>>) target(%dma_start3A_87 : memref<128x128xf32, #tpu.memory_space<vmem_shared>>) target_semaphore(%run_scoped3A : memref<!tpu.dma_semaphore, #tpu.memory_space<semaphore_mem>>)
        %dma_wait3A_88 = arith.constant 0 : i32
        %dma_wait3A_89 = tpu.memref_slice %arg10[%add3A_83, %dma_wait3A_88] : memref<10112x128xf32, #tpu.memory_space<vmem_shared>> -> memref<128x128xf32, #tpu.memory_space<vmem_shared>>
        %dma_wait3A_90 = arith.constant 0 : i32
        %dma_wait3A_91 = tpu.memref_slice %arg10[%add3A_83, %dma_wait3A_90] : memref<10112x128xf32, #tpu.memory_space<vmem_shared>> -> memref<128x128xf32, #tpu.memory_space<vmem_shared>>
        tpu.wait_dma2 semaphore(%run_scoped3A : memref<!tpu.dma_semaphore, #tpu.memory_space<semaphore_mem>>) src(%arg8 : memref<128x128xf32, #tpu.memory_space<vmem>>) dst(%dma_wait3A_91 : memref<128x128xf32, #tpu.memory_space<vmem_shared>>)
        tpu.yield
      }) : () -> ()
    }
    %scan3A_28 = arith.constant 4 : i32
    %add3A_29 = arith.constant 512 : i32
    %add3A_30 = arith.addi %mul3A_0, %add3A_29 : i32
    "tpu.region"() ({
      %run_scoped3A = tpu.sem_alloc : memref<!tpu.dma_semaphore, #tpu.memory_space<semaphore_mem>>
      %dma_start3A_80 = arith.constant 0 : i32
      %dma_start3A_81 = arith.constant 0 : i32
      %dma_start3A_82 = tpu.memref_slice %arg8[%dma_start3A_80, %dma_start3A_81] : memref<128x128xf32, #tpu.memory_space<vmem>> -> memref<120x128xf32, #tpu.memory_space<vmem>>
      %dma_start3A_83 = arith.constant 0 : i32
      %dma_start3A_84 = tpu.memref_slice %arg10[%add3A_30, %dma_start3A_83] : memref<10112x128xf32, #tpu.memory_space<vmem_shared>> -> memref<120x128xf32, #tpu.memory_space<vmem_shared>>
      %dma_start3A_85 = arith.constant 0 : i32
      %dma_start3A_86 = tpu.memref_slice %arg10[%add3A_30, %dma_start3A_85] : memref<10112x128xf32, #tpu.memory_space<vmem_shared>> -> memref<120x128xf32, #tpu.memory_space<vmem_shared>>
      %dma_start3A_87 = arith.constant 0 : i32
      %dma_start3A_88 = arith.constant 0 : i32
      %dma_start3A_89 = tpu.memref_slice %arg8[%dma_start3A_87, %dma_start3A_88] : memref<128x128xf32, #tpu.memory_space<vmem>> -> memref<120x128xf32, #tpu.memory_space<vmem>>
      tpu.enqueue_dma source(%dma_start3A_89 : memref<120x128xf32, #tpu.memory_space<vmem>>) target(%dma_start3A_86 : memref<120x128xf32, #tpu.memory_space<vmem_shared>>) target_semaphore(%run_scoped3A : memref<!tpu.dma_semaphore, #tpu.memory_space<semaphore_mem>>)
      %dma_wait3A_90 = arith.constant 0 : i32
      %dma_wait3A_91 = arith.constant 0 : i32
      %dma_wait3A_92 = tpu.memref_slice %arg8[%dma_wait3A_90, %dma_wait3A_91] : memref<128x128xf32, #tpu.memory_space<vmem>> -> memref<120x128xf32, #tpu.memory_space<vmem>>
      %dma_wait3A_93 = arith.constant 0 : i32
      %dma_wait3A_94 = tpu.memref_slice %arg10[%add3A_30, %dma_wait3A_93] : memref<10112x128xf32, #tpu.memory_space<vmem_shared>> -> memref<120x128xf32, #tpu.memory_space<vmem_shared>>
      %dma_wait3A_95 = arith.constant 0 : i32
      %dma_wait3A_96 = tpu.memref_slice %arg10[%add3A_30, %dma_wait3A_95] : memref<10112x128xf32, #tpu.memory_space<vmem_shared>> -> memref<120x128xf32, #tpu.memory_space<vmem_shared>>
      %dma_wait3A_97 = arith.constant 0 : i32
      %dma_wait3A_98 = arith.constant 0 : i32
      %dma_wait3A_99 = tpu.memref_slice %arg8[%dma_wait3A_97, %dma_wait3A_98] : memref<128x128xf32, #tpu.memory_space<vmem>> -> memref<120x128xf32, #tpu.memory_space<vmem>>
      tpu.wait_dma2 semaphore(%run_scoped3A : memref<!tpu.dma_semaphore, #tpu.memory_space<semaphore_mem>>) src(%dma_wait3A_99 : memref<120x128xf32, #tpu.memory_space<vmem>>) dst(%dma_wait3A_96 : memref<120x128xf32, #tpu.memory_space<vmem_shared>>)
      tpu.yield
    }) : () -> ()
    %dma_wait3A = arith.constant 0 : i32
    %dma_wait3A_31 = tpu.memref_slice %arg3[%select_n3A_10, %dma_wait3A] : memref<1328x128xi32, #tpu.memory_space<hbm>> -> memref<64x128xi32, #tpu.memory_space<hbm>>
    %dma_wait3A_32 = arith.constant 0 : i32
    %dma_wait3A_33 = tpu.memref_slice %arg3[%select_n3A_10, %dma_wait3A_32] : memref<1328x128xi32, #tpu.memory_space<hbm>> -> memref<64x128xi32, #tpu.memory_space<hbm>>
    tpu.wait_dma2 semaphore(%arg11 : memref<!tpu.dma_semaphore, #tpu.memory_space<semaphore_mem>>) src(%dma_wait3A_33 : memref<64x128xi32, #tpu.memory_space<hbm>>) dst(%arg7 : memref<64x128xi32, #tpu.memory_space<vmem>>)
    %dma_wait3A_34 = arith.constant 0 : i32
    %dma_wait3A_35 = tpu.memref_slice %arg4[%select_n3A_10, %dma_wait3A_34] : memref<1328x128xi32, #tpu.memory_space<hbm>> -> memref<64x128xi32, #tpu.memory_space<hbm>>
    %dma_wait3A_36 = arith.constant 0 : i32
    %dma_wait3A_37 = tpu.memref_slice %arg4[%select_n3A_10, %dma_wait3A_36] : memref<1328x128xi32, #tpu.memory_space<hbm>> -> memref<64x128xi32, #tpu.memory_space<hbm>>
    tpu.wait_dma2 semaphore(%arg11 : memref<!tpu.dma_semaphore, #tpu.memory_space<semaphore_mem>>) src(%dma_wait3A_37 : memref<64x128xi32, #tpu.memory_space<hbm>>) dst(%arg6 : memref<64x128xi32, #tpu.memory_space<vmem>>)
    %barrier3A = arith.constant 0 : index
    tpu.barrier barrier_id(%barrier3A)
    %dma_start3A_38 = arith.constant 0 : i32
    %dma_start3A_39 = arith.constant 0 : i32
    %dma_start3A_40 = tpu.memref_slice %arg7[%dma_start3A_38, %dma_start3A_39] : memref<64x128xi32, #tpu.memory_space<vmem>> -> memref<1x128xi32, #tpu.memory_space<vmem>>
    %dma_start3A_41 = tpu.memref_squeeze %dma_start3A_40 : memref<1x128xi32, #tpu.memory_space<vmem>> -> memref<128xi32, #tpu.memory_space<vmem>>
    %dma_start3A_42 = arith.constant 0 : i32
    %dma_start3A_43 = arith.constant 0 : i32
    %dma_start3A_44 = tpu.memref_slice %arg2[%dma_start3A_42, %dma_start3A_43] : memref<190000x128xf32, #tpu.memory_space<hbm>> -> memref<190000x128xf32, #tpu.memory_space<hbm>>
    tpu.enqueue_indirect_dma source(%dma_start3A_44 : memref<190000x128xf32, #tpu.memory_space<hbm>>) target(%arg8 : memref<128x128xf32, #tpu.memory_space<vmem>>) offsets(%dma_start3A_41 : memref<128xi32, #tpu.memory_space<vmem>>) semaphore(%arg12 : memref<!tpu.dma_semaphore, #tpu.memory_space<semaphore_mem>>)
    %dma_start3A_45 = arith.constant 1 : i32
    %dma_start3A_46 = arith.constant 0 : i32
    %dma_start3A_47 = tpu.memref_slice %arg7[%dma_start3A_45, %dma_start3A_46] : memref<64x128xi32, #tpu.memory_space<vmem>> -> memref<1x128xi32, #tpu.memory_space<vmem>>
    %dma_start3A_48 = tpu.memref_squeeze %dma_start3A_47 : memref<1x128xi32, #tpu.memory_space<vmem>> -> memref<128xi32, #tpu.memory_space<vmem>>
    %dma_start3A_49 = arith.constant 0 : i32
    %dma_start3A_50 = arith.constant 0 : i32
    %dma_start3A_51 = tpu.memref_slice %arg2[%dma_start3A_49, %dma_start3A_50] : memref<190000x128xf32, #tpu.memory_space<hbm>> -> memref<190000x128xf32, #tpu.memory_space<hbm>>
    tpu.enqueue_indirect_dma source(%dma_start3A_51 : memref<190000x128xf32, #tpu.memory_space<hbm>>) target(%arg9 : memref<128x128xf32, #tpu.memory_space<vmem>>) offsets(%dma_start3A_48 : memref<128xi32, #tpu.memory_space<vmem>>) semaphore(%arg13 : memref<!tpu.dma_semaphore, #tpu.memory_space<semaphore_mem>>)
    %jit3A_52 = arith.constant 2 : i32
    %div3A = arith.divsi %select_n3A, %jit3A_52 : i32
    %sign3A = arith.constant 0 : i32
    %sign3A_53 = arith.cmpi sgt, %select_n3A, %sign3A : i32
    %sign3A_54 = arith.extui %sign3A_53 : i1 to i32
    %sign3A_55 = arith.constant 0 : i32
    %sign3A_56 = arith.cmpi slt, %select_n3A, %sign3A_55 : i32
    %sign3A_57 = arith.extui %sign3A_56 : i1 to i32
    %sign3A_58 = arith.subi %sign3A_54, %sign3A_57 : i32
    %sign3A_59 = arith.constant 0 : i32
    %sign3A_60 = arith.cmpi sgt, %jit3A_52, %sign3A_59 : i32
    %sign3A_61 = arith.extui %sign3A_60 : i1 to i32
    %sign3A_62 = arith.constant 0 : i32
    %sign3A_63 = arith.cmpi slt, %jit3A_52, %sign3A_62 : i32
    %sign3A_64 = arith.extui %sign3A_63 : i1 to i32
    %sign3A_65 = arith.subi %sign3A_61, %sign3A_64 : i32
    %ne3A = arith.cmpi ne, %sign3A_58, %sign3A_65 : i32
    %rem3A = arith.remsi %select_n3A, %jit3A_52 : i32
    %ne3A_66 = arith.constant 0 : i32
    %ne3A_67 = arith.cmpi ne, %rem3A, %ne3A_66 : i32
    %and3A = arith.andi %ne3A, %ne3A_67 : i1
    %sub3A = arith.constant 1 : i32
    %sub3A_68 = arith.subi %div3A, %sub3A : i32
    %select_n3A_69 = arith.select %and3A, %sub3A_68, %div3A : i32
    %while3A = arith.constant 0 : i32
    %while3A_70 = arith.constant 0 : i32
    %while3A_71 = arith.subi %select_n3A_69, %while3A_70 : i32
    %while3A_72 = arith.addi %while3A_70, %while3A_71 : i32
    %while3A_73 = arith.constant 1 : i32
    %while3A_74 = arith.divsi %while3A_71, %while3A_73 : i32
    %while3A_75 = arith.muli %while3A_74, %while3A_73 : i32
    %while3A_76 = arith.addi %while3A_70, %while3A_75 : i32
    %while3A_77 = arith.constant 1 : i32
    scf.for %while3A_80 = %while3A_70 to %while3A_76 step %while3A_77  : i32 {
      %mul3A_81 = arith.constant 2 : i32
      %mul3A_82 = arith.muli %mul3A_81, %while3A_80 : i32
      %dma_wait3A_83 = arith.constant 0 : i32
      %dma_wait3A_84 = tpu.memref_slice %arg7[%mul3A_82, %dma_wait3A_83] : memref<64x128xi32, #tpu.memory_space<vmem>> -> memref<1x128xi32, #tpu.memory_space<vmem>>
      %dma_wait3A_85 = tpu.memref_squeeze %dma_wait3A_84 : memref<1x128xi32, #tpu.memory_space<vmem>> -> memref<128xi32, #tpu.memory_space<vmem>>
      %dma_wait3A_86 = arith.constant 0 : i32
      %dma_wait3A_87 = arith.constant 0 : i32
      %dma_wait3A_88 = tpu.memref_slice %arg2[%dma_wait3A_86, %dma_wait3A_87] : memref<190000x128xf32, #tpu.memory_space<hbm>> -> memref<190000x128xf32, #tpu.memory_space<hbm>>
      tpu.wait_indirect_dma semaphore(%arg12 : memref<!tpu.dma_semaphore, #tpu.memory_space<semaphore_mem>>) src(%dma_wait3A_88 : memref<190000x128xf32, #tpu.memory_space<hbm>>) dst(%arg8 : memref<128x128xf32, #tpu.memory_space<vmem>>)
      %mul3A_89 = arith.constant 2 : i32
      %mul3A_90 = arith.muli %mul3A_89, %while3A_80 : i32
      "tpu.region"() ({
        %run_scoped3A = tpu.sem_alloc : memref<!tpu.dma_semaphore, #tpu.memory_space<semaphore_mem>>
        %dma_start3A_162 = arith.constant 0 : i32
        %dma_start3A_163 = tpu.memref_slice %arg6[%mul3A_90, %dma_start3A_162] : memref<64x128xi32, #tpu.memory_space<vmem>> -> memref<1x128xi32, #tpu.memory_space<vmem>>
        %dma_start3A_164 = tpu.memref_squeeze %dma_start3A_163 : memref<1x128xi32, #tpu.memory_space<vmem>> -> memref<128xi32, #tpu.memory_space<vmem>>
        %dma_start3A_165 = arith.constant 0 : i32
        %dma_start3A_166 = arith.constant 0 : i32
        %dma_start3A_167 = tpu.memref_slice %arg10[%dma_start3A_165, %dma_start3A_166] : memref<10112x128xf32, #tpu.memory_space<vmem_shared>> -> memref<10112x128xf32, #tpu.memory_space<vmem_shared>>
        tpu.enqueue_indirect_dma source(%arg8 : memref<128x128xf32, #tpu.memory_space<vmem>>) target(%dma_start3A_167 : memref<10112x128xf32, #tpu.memory_space<vmem_shared>>) offsets(%dma_start3A_164 : memref<128xi32, #tpu.memory_space<vmem>>) semaphore(%run_scoped3A : memref<!tpu.dma_semaphore, #tpu.memory_space<semaphore_mem>>) {add = true}
        %dma_wait3A_168 = arith.constant 0 : i32
        %dma_wait3A_169 = tpu.memref_slice %arg6[%mul3A_90, %dma_wait3A_168] : memref<64x128xi32, #tpu.memory_space<vmem>> -> memref<1x128xi32, #tpu.memory_space<vmem>>
        %dma_wait3A_170 = tpu.memref_squeeze %dma_wait3A_169 : memref<1x128xi32, #tpu.memory_space<vmem>> -> memref<128xi32, #tpu.memory_space<vmem>>
        %dma_wait3A_171 = arith.constant 0 : i32
        %dma_wait3A_172 = arith.constant 0 : i32
        %dma_wait3A_173 = tpu.memref_slice %arg10[%dma_wait3A_171, %dma_wait3A_172] : memref<10112x128xf32, #tpu.memory_space<vmem_shared>> -> memref<10112x128xf32, #tpu.memory_space<vmem_shared>>
        tpu.wait_indirect_dma semaphore(%run_scoped3A : memref<!tpu.dma_semaphore, #tpu.memory_space<semaphore_mem>>) src(%arg8 : memref<128x128xf32, #tpu.memory_space<vmem>>) dst(%dma_wait3A_173 : memref<10112x128xf32, #tpu.memory_space<vmem_shared>>)
        tpu.yield
      }) : () -> ()
      %add3A_91 = arith.constant 1 : i32
      %add3A_92 = arith.addi %while3A_80, %add3A_91 : i32
      %jit3A_93 = arith.constant 2 : i32
      %div3A_94 = arith.divsi %select_n3A, %jit3A_93 : i32
      %sign3A_95 = arith.constant 0 : i32
      %sign3A_96 = arith.cmpi sgt, %select_n3A, %sign3A_95 : i32
      %sign3A_97 = arith.extui %sign3A_96 : i1 to i32
      %sign3A_98 = arith.constant 0 : i32
      %sign3A_99 = arith.cmpi slt, %select_n3A, %sign3A_98 : i32
      %sign3A_100 = arith.extui %sign3A_99 : i1 to i32
      %sign3A_101 = arith.subi %sign3A_97, %sign3A_100 : i32
      %sign3A_102 = arith.constant 0 : i32
      %sign3A_103 = arith.cmpi sgt, %jit3A_93, %sign3A_102 : i32
      %sign3A_104 = arith.extui %sign3A_103 : i1 to i32
      %sign3A_105 = arith.constant 0 : i32
      %sign3A_106 = arith.cmpi slt, %jit3A_93, %sign3A_105 : i32
      %sign3A_107 = arith.extui %sign3A_106 : i1 to i32
      %sign3A_108 = arith.subi %sign3A_104, %sign3A_107 : i32
      %ne3A_109 = arith.cmpi ne, %sign3A_101, %sign3A_108 : i32
      %rem3A_110 = arith.remsi %select_n3A, %jit3A_93 : i32
      %ne3A_111 = arith.constant 0 : i32
      %ne3A_112 = arith.cmpi ne, %rem3A_110, %ne3A_111 : i32
      %and3A_113 = arith.andi %ne3A_109, %ne3A_112 : i1
      %sub3A_114 = arith.constant 1 : i32
      %sub3A_115 = arith.subi %div3A_94, %sub3A_114 : i32
      %select_n3A_116 = arith.select %and3A_113, %sub3A_115, %div3A_94 : i32
      %lt3A = arith.cmpi slt, %add3A_92, %select_n3A_116 : i32
      %convert_element_type3A = arith.extui %lt3A : i1 to i32
      %cond3A = arith.constant 0 : i32
      %cond3A_117 = arith.cmpi ne, %convert_element_type3A, %cond3A : i32
      scf.if %cond3A_117 {
        %mul3A_162 = arith.constant 2 : i32
        %mul3A_163 = arith.muli %mul3A_162, %while3A_80 : i32
        %add3A_164 = arith.constant 2 : i32
        %add3A_165 = arith.addi %mul3A_163, %add3A_164 : i32
        %dma_start3A_166 = arith.constant 0 : i32
        %dma_start3A_167 = tpu.memref_slice %arg7[%add3A_165, %dma_start3A_166] : memref<64x128xi32, #tpu.memory_space<vmem>> -> memref<1x128xi32, #tpu.memory_space<vmem>>
        %dma_start3A_168 = tpu.memref_squeeze %dma_start3A_167 : memref<1x128xi32, #tpu.memory_space<vmem>> -> memref<128xi32, #tpu.memory_space<vmem>>
        %dma_start3A_169 = arith.constant 0 : i32
        %dma_start3A_170 = arith.constant 0 : i32
        %dma_start3A_171 = tpu.memref_slice %arg2[%dma_start3A_169, %dma_start3A_170] : memref<190000x128xf32, #tpu.memory_space<hbm>> -> memref<190000x128xf32, #tpu.memory_space<hbm>>
        tpu.enqueue_indirect_dma source(%dma_start3A_171 : memref<190000x128xf32, #tpu.memory_space<hbm>>) target(%arg8 : memref<128x128xf32, #tpu.memory_space<vmem>>) offsets(%dma_start3A_168 : memref<128xi32, #tpu.memory_space<vmem>>) semaphore(%arg12 : memref<!tpu.dma_semaphore, #tpu.memory_space<semaphore_mem>>)
      } else {
      }
      %mul3A_118 = arith.constant 2 : i32
      %mul3A_119 = arith.muli %mul3A_118, %while3A_80 : i32
      %add3A_120 = arith.constant 1 : i32
      %add3A_121 = arith.addi %mul3A_119, %add3A_120 : i32
      %dma_wait3A_122 = arith.constant 0 : i32
      %dma_wait3A_123 = tpu.memref_slice %arg7[%add3A_121, %dma_wait3A_122] : memref<64x128xi32, #tpu.memory_space<vmem>> -> memref<1x128xi32, #tpu.memory_space<vmem>>
      %dma_wait3A_124 = tpu.memref_squeeze %dma_wait3A_123 : memref<1x128xi32, #tpu.memory_space<vmem>> -> memref<128xi32, #tpu.memory_space<vmem>>
      %dma_wait3A_125 = arith.constant 0 : i32
      %dma_wait3A_126 = arith.constant 0 : i32
      %dma_wait3A_127 = tpu.memref_slice %arg2[%dma_wait3A_125, %dma_wait3A_126] : memref<190000x128xf32, #tpu.memory_space<hbm>> -> memref<190000x128xf32, #tpu.memory_space<hbm>>
      tpu.wait_indirect_dma semaphore(%arg13 : memref<!tpu.dma_semaphore, #tpu.memory_space<semaphore_mem>>) src(%dma_wait3A_127 : memref<190000x128xf32, #tpu.memory_space<hbm>>) dst(%arg9 : memref<128x128xf32, #tpu.memory_space<vmem>>)
      %mul3A_128 = arith.constant 2 : i32
      %mul3A_129 = arith.muli %mul3A_128, %while3A_80 : i32
      %add3A_130 = arith.constant 1 : i32
      %add3A_131 = arith.addi %mul3A_129, %add3A_130 : i32
      "tpu.region"() ({
        %run_scoped3A = tpu.sem_alloc : memref<!tpu.dma_semaphore, #tpu.memory_space<semaphore_mem>>
        %dma_start3A_162 = arith.constant 0 : i32
        %dma_start3A_163 = tpu.memref_slice %arg6[%add3A_131, %dma_start3A_162] : memref<64x128xi32, #tpu.memory_space<vmem>> -> memref<1x128xi32, #tpu.memory_space<vmem>>
        %dma_start3A_164 = tpu.memref_squeeze %dma_start3A_163 : memref<1x128xi32, #tpu.memory_space<vmem>> -> memref<128xi32, #tpu.memory_space<vmem>>
        %dma_start3A_165 = arith.constant 0 : i32
        %dma_start3A_166 = arith.constant 0 : i32
        %dma_start3A_167 = tpu.memref_slice %arg10[%dma_start3A_165, %dma_start3A_166] : memref<10112x128xf32, #tpu.memory_space<vmem_shared>> -> memref<10112x128xf32, #tpu.memory_space<vmem_shared>>
        tpu.enqueue_indirect_dma source(%arg9 : memref<128x128xf32, #tpu.memory_space<vmem>>) target(%dma_start3A_167 : memref<10112x128xf32, #tpu.memory_space<vmem_shared>>) offsets(%dma_start3A_164 : memref<128xi32, #tpu.memory_space<vmem>>) semaphore(%run_scoped3A : memref<!tpu.dma_semaphore, #tpu.memory_space<semaphore_mem>>) {add = true}
        %dma_wait3A_168 = arith.constant 0 : i32
        %dma_wait3A_169 = tpu.memref_slice %arg6[%add3A_131, %dma_wait3A_168] : memref<64x128xi32, #tpu.memory_space<vmem>> -> memref<1x128xi32, #tpu.memory_space<vmem>>
        %dma_wait3A_170 = tpu.memref_squeeze %dma_wait3A_169 : memref<1x128xi32, #tpu.memory_space<vmem>> -> memref<128xi32, #tpu.memory_space<vmem>>
        %dma_wait3A_171 = arith.constant 0 : i32
        %dma_wait3A_172 = arith.constant 0 : i32
        %dma_wait3A_173 = tpu.memref_slice %arg10[%dma_wait3A_171, %dma_wait3A_172] : memref<10112x128xf32, #tpu.memory_space<vmem_shared>> -> memref<10112x128xf32, #tpu.memory_space<vmem_shared>>
        tpu.wait_indirect_dma semaphore(%run_scoped3A : memref<!tpu.dma_semaphore, #tpu.memory_space<semaphore_mem>>) src(%arg9 : memref<128x128xf32, #tpu.memory_space<vmem>>) dst(%dma_wait3A_173 : memref<10112x128xf32, #tpu.memory_space<vmem_shared>>)
        tpu.yield
      }) : () -> ()
      %add3A_132 = arith.constant 1 : i32
      %add3A_133 = arith.addi %while3A_80, %add3A_132 : i32
      %jit3A_134 = arith.constant 2 : i32
      %div3A_135 = arith.divsi %select_n3A, %jit3A_134 : i32
      %sign3A_136 = arith.constant 0 : i32
      %sign3A_137 = arith.cmpi sgt, %select_n3A, %sign3A_136 : i32
      %sign3A_138 = arith.extui %sign3A_137 : i1 to i32
      %sign3A_139 = arith.constant 0 : i32
      %sign3A_140 = arith.cmpi slt, %select_n3A, %sign3A_139 : i32
      %sign3A_141 = arith.extui %sign3A_140 : i1 to i32
      %sign3A_142 = arith.subi %sign3A_138, %sign3A_141 : i32
      %sign3A_143 = arith.constant 0 : i32
      %sign3A_144 = arith.cmpi sgt, %jit3A_134, %sign3A_143 : i32
      %sign3A_145 = arith.extui %sign3A_144 : i1 to i32
      %sign3A_146 = arith.constant 0 : i32
      %sign3A_147 = arith.cmpi slt, %jit3A_134, %sign3A_146 : i32
      %sign3A_148 = arith.extui %sign3A_147 : i1 to i32
      %sign3A_149 = arith.subi %sign3A_145, %sign3A_148 : i32
      %ne3A_150 = arith.cmpi ne, %sign3A_142, %sign3A_149 : i32
      %rem3A_151 = arith.remsi %select_n3A, %jit3A_134 : i32
      %ne3A_152 = arith.constant 0 : i32
      %ne3A_153 = arith.cmpi ne, %rem3A_151, %ne3A_152 : i32
      %and3A_154 = arith.andi %ne3A_150, %ne3A_153 : i1
      %sub3A_155 = arith.constant 1 : i32
      %sub3A_156 = arith.subi %div3A_135, %sub3A_155 : i32
      %select_n3A_157 = arith.select %and3A_154, %sub3A_156, %div3A_135 : i32
      %lt3A_158 = arith.cmpi slt, %add3A_133, %select_n3A_157 : i32
      %convert_element_type3A_159 = arith.extui %lt3A_158 : i1 to i32
      %cond3A_160 = arith.constant 0 : i32
      %cond3A_161 = arith.cmpi ne, %convert_element_type3A_159, %cond3A_160 : i32
      scf.if %cond3A_161 {
        %mul3A_162 = arith.constant 2 : i32
        %mul3A_163 = arith.muli %mul3A_162, %while3A_80 : i32
        %add3A_164 = arith.constant 3 : i32
        %add3A_165 = arith.addi %mul3A_163, %add3A_164 : i32
        %dma_start3A_166 = arith.constant 0 : i32
        %dma_start3A_167 = tpu.memref_slice %arg7[%add3A_165, %dma_start3A_166] : memref<64x128xi32, #tpu.memory_space<vmem>> -> memref<1x128xi32, #tpu.memory_space<vmem>>
        %dma_start3A_168 = tpu.memref_squeeze %dma_start3A_167 : memref<1x128xi32, #tpu.memory_space<vmem>> -> memref<128xi32, #tpu.memory_space<vmem>>
        %dma_start3A_169 = arith.constant 0 : i32
        %dma_start3A_170 = arith.constant 0 : i32
        %dma_start3A_171 = tpu.memref_slice %arg2[%dma_start3A_169, %dma_start3A_170] : memref<190000x128xf32, #tpu.memory_space<hbm>> -> memref<190000x128xf32, #tpu.memory_space<hbm>>
        tpu.enqueue_indirect_dma source(%dma_start3A_171 : memref<190000x128xf32, #tpu.memory_space<hbm>>) target(%arg9 : memref<128x128xf32, #tpu.memory_space<vmem>>) offsets(%dma_start3A_168 : memref<128xi32, #tpu.memory_space<vmem>>) semaphore(%arg13 : memref<!tpu.dma_semaphore, #tpu.memory_space<semaphore_mem>>)
      } else {
      }
    }
    %while3A_78 = arith.constant 1 : i32
    scf.for %while3A_80 = %while3A_76 to %while3A_72 step %while3A_78  : i32 {
      %mul3A_81 = arith.constant 2 : i32
      %mul3A_82 = arith.muli %mul3A_81, %while3A_80 : i32
      %dma_wait3A_83 = arith.constant 0 : i32
      %dma_wait3A_84 = tpu.memref_slice %arg7[%mul3A_82, %dma_wait3A_83] : memref<64x128xi32, #tpu.memory_space<vmem>> -> memref<1x128xi32, #tpu.memory_space<vmem>>
      %dma_wait3A_85 = tpu.memref_squeeze %dma_wait3A_84 : memref<1x128xi32, #tpu.memory_space<vmem>> -> memref<128xi32, #tpu.memory_space<vmem>>
      %dma_wait3A_86 = arith.constant 0 : i32
      %dma_wait3A_87 = arith.constant 0 : i32
      %dma_wait3A_88 = tpu.memref_slice %arg2[%dma_wait3A_86, %dma_wait3A_87] : memref<190000x128xf32, #tpu.memory_space<hbm>> -> memref<190000x128xf32, #tpu.memory_space<hbm>>
      tpu.wait_indirect_dma semaphore(%arg12 : memref<!tpu.dma_semaphore, #tpu.memory_space<semaphore_mem>>) src(%dma_wait3A_88 : memref<190000x128xf32, #tpu.memory_space<hbm>>) dst(%arg8 : memref<128x128xf32, #tpu.memory_space<vmem>>)
      %mul3A_89 = arith.constant 2 : i32
      %mul3A_90 = arith.muli %mul3A_89, %while3A_80 : i32
      "tpu.region"() ({
        %run_scoped3A = tpu.sem_alloc : memref<!tpu.dma_semaphore, #tpu.memory_space<semaphore_mem>>
        %dma_start3A_162 = arith.constant 0 : i32
        %dma_start3A_163 = tpu.memref_slice %arg6[%mul3A_90, %dma_start3A_162] : memref<64x128xi32, #tpu.memory_space<vmem>> -> memref<1x128xi32, #tpu.memory_space<vmem>>
        %dma_start3A_164 = tpu.memref_squeeze %dma_start3A_163 : memref<1x128xi32, #tpu.memory_space<vmem>> -> memref<128xi32, #tpu.memory_space<vmem>>
        %dma_start3A_165 = arith.constant 0 : i32
        %dma_start3A_166 = arith.constant 0 : i32
        %dma_start3A_167 = tpu.memref_slice %arg10[%dma_start3A_165, %dma_start3A_166] : memref<10112x128xf32, #tpu.memory_space<vmem_shared>> -> memref<10112x128xf32, #tpu.memory_space<vmem_shared>>
        tpu.enqueue_indirect_dma source(%arg8 : memref<128x128xf32, #tpu.memory_space<vmem>>) target(%dma_start3A_167 : memref<10112x128xf32, #tpu.memory_space<vmem_shared>>) offsets(%dma_start3A_164 : memref<128xi32, #tpu.memory_space<vmem>>) semaphore(%run_scoped3A : memref<!tpu.dma_semaphore, #tpu.memory_space<semaphore_mem>>) {add = true}
        %dma_wait3A_168 = arith.constant 0 : i32
        %dma_wait3A_169 = tpu.memref_slice %arg6[%mul3A_90, %dma_wait3A_168] : memref<64x128xi32, #tpu.memory_space<vmem>> -> memref<1x128xi32, #tpu.memory_space<vmem>>
        %dma_wait3A_170 = tpu.memref_squeeze %dma_wait3A_169 : memref<1x128xi32, #tpu.memory_space<vmem>> -> memref<128xi32, #tpu.memory_space<vmem>>
        %dma_wait3A_171 = arith.constant 0 : i32
        %dma_wait3A_172 = arith.constant 0 : i32
        %dma_wait3A_173 = tpu.memref_slice %arg10[%dma_wait3A_171, %dma_wait3A_172] : memref<10112x128xf32, #tpu.memory_space<vmem_shared>> -> memref<10112x128xf32, #tpu.memory_space<vmem_shared>>
        tpu.wait_indirect_dma semaphore(%run_scoped3A : memref<!tpu.dma_semaphore, #tpu.memory_space<semaphore_mem>>) src(%arg8 : memref<128x128xf32, #tpu.memory_space<vmem>>) dst(%dma_wait3A_173 : memref<10112x128xf32, #tpu.memory_space<vmem_shared>>)
        tpu.yield
      }) : () -> ()
      %add3A_91 = arith.constant 1 : i32
      %add3A_92 = arith.addi %while3A_80, %add3A_91 : i32
      %jit3A_93 = arith.constant 2 : i32
      %div3A_94 = arith.divsi %select_n3A, %jit3A_93 : i32
      %sign3A_95 = arith.constant 0 : i32
      %sign3A_96 = arith.cmpi sgt, %select_n3A, %sign3A_95 : i32
      %sign3A_97 = arith.extui %sign3A_96 : i1 to i32
      %sign3A_98 = arith.constant 0 : i32
      %sign3A_99 = arith.cmpi slt, %select_n3A, %sign3A_98 : i32
      %sign3A_100 = arith.extui %sign3A_99 : i1 to i32
      %sign3A_101 = arith.subi %sign3A_97, %sign3A_100 : i32
      %sign3A_102 = arith.constant 0 : i32
      %sign3A_103 = arith.cmpi sgt, %jit3A_93, %sign3A_102 : i32
      %sign3A_104 = arith.extui %sign3A_103 : i1 to i32
      %sign3A_105 = arith.constant 0 : i32
      %sign3A_106 = arith.cmpi slt, %jit3A_93, %sign3A_105 : i32
      %sign3A_107 = arith.extui %sign3A_106 : i1 to i32
      %sign3A_108 = arith.subi %sign3A_104, %sign3A_107 : i32
      %ne3A_109 = arith.cmpi ne, %sign3A_101, %sign3A_108 : i32
      %rem3A_110 = arith.remsi %select_n3A, %jit3A_93 : i32
      %ne3A_111 = arith.constant 0 : i32
      %ne3A_112 = arith.cmpi ne, %rem3A_110, %ne3A_111 : i32
      %and3A_113 = arith.andi %ne3A_109, %ne3A_112 : i1
      %sub3A_114 = arith.constant 1 : i32
      %sub3A_115 = arith.subi %div3A_94, %sub3A_114 : i32
      %select_n3A_116 = arith.select %and3A_113, %sub3A_115, %div3A_94 : i32
      %lt3A = arith.cmpi slt, %add3A_92, %select_n3A_116 : i32
      %convert_element_type3A = arith.extui %lt3A : i1 to i32
      %cond3A = arith.constant 0 : i32
      %cond3A_117 = arith.cmpi ne, %convert_element_type3A, %cond3A : i32
      scf.if %cond3A_117 {
        %mul3A_162 = arith.constant 2 : i32
        %mul3A_163 = arith.muli %mul3A_162, %while3A_80 : i32
        %add3A_164 = arith.constant 2 : i32
        %add3A_165 = arith.addi %mul3A_163, %add3A_164 : i32
        %dma_start3A_166 = arith.constant 0 : i32
        %dma_start3A_167 = tpu.memref_slice %arg7[%add3A_165, %dma_start3A_166] : memref<64x128xi32, #tpu.memory_space<vmem>> -> memref<1x128xi32, #tpu.memory_space<vmem>>
        %dma_start3A_168 = tpu.memref_squeeze %dma_start3A_167 : memref<1x128xi32, #tpu.memory_space<vmem>> -> memref<128xi32, #tpu.memory_space<vmem>>
        %dma_start3A_169 = arith.constant 0 : i32
        %dma_start3A_170 = arith.constant 0 : i32
        %dma_start3A_171 = tpu.memref_slice %arg2[%dma_start3A_169, %dma_start3A_170] : memref<190000x128xf32, #tpu.memory_space<hbm>> -> memref<190000x128xf32, #tpu.memory_space<hbm>>
        tpu.enqueue_indirect_dma source(%dma_start3A_171 : memref<190000x128xf32, #tpu.memory_space<hbm>>) target(%arg8 : memref<128x128xf32, #tpu.memory_space<vmem>>) offsets(%dma_start3A_168 : memref<128xi32, #tpu.memory_space<vmem>>) semaphore(%arg12 : memref<!tpu.dma_semaphore, #tpu.memory_space<semaphore_mem>>)
      } else {
      }
      %mul3A_118 = arith.constant 2 : i32
      %mul3A_119 = arith.muli %mul3A_118, %while3A_80 : i32
      %add3A_120 = arith.constant 1 : i32
      %add3A_121 = arith.addi %mul3A_119, %add3A_120 : i32
      %dma_wait3A_122 = arith.constant 0 : i32
      %dma_wait3A_123 = tpu.memref_slice %arg7[%add3A_121, %dma_wait3A_122] : memref<64x128xi32, #tpu.memory_space<vmem>> -> memref<1x128xi32, #tpu.memory_space<vmem>>
      %dma_wait3A_124 = tpu.memref_squeeze %dma_wait3A_123 : memref<1x128xi32, #tpu.memory_space<vmem>> -> memref<128xi32, #tpu.memory_space<vmem>>
      %dma_wait3A_125 = arith.constant 0 : i32
      %dma_wait3A_126 = arith.constant 0 : i32
      %dma_wait3A_127 = tpu.memref_slice %arg2[%dma_wait3A_125, %dma_wait3A_126] : memref<190000x128xf32, #tpu.memory_space<hbm>> -> memref<190000x128xf32, #tpu.memory_space<hbm>>
      tpu.wait_indirect_dma semaphore(%arg13 : memref<!tpu.dma_semaphore, #tpu.memory_space<semaphore_mem>>) src(%dma_wait3A_127 : memref<190000x128xf32, #tpu.memory_space<hbm>>) dst(%arg9 : memref<128x128xf32, #tpu.memory_space<vmem>>)
      %mul3A_128 = arith.constant 2 : i32
      %mul3A_129 = arith.muli %mul3A_128, %while3A_80 : i32
      %add3A_130 = arith.constant 1 : i32
      %add3A_131 = arith.addi %mul3A_129, %add3A_130 : i32
      "tpu.region"() ({
        %run_scoped3A = tpu.sem_alloc : memref<!tpu.dma_semaphore, #tpu.memory_space<semaphore_mem>>
        %dma_start3A_162 = arith.constant 0 : i32
        %dma_start3A_163 = tpu.memref_slice %arg6[%add3A_131, %dma_start3A_162] : memref<64x128xi32, #tpu.memory_space<vmem>> -> memref<1x128xi32, #tpu.memory_space<vmem>>
        %dma_start3A_164 = tpu.memref_squeeze %dma_start3A_163 : memref<1x128xi32, #tpu.memory_space<vmem>> -> memref<128xi32, #tpu.memory_space<vmem>>
        %dma_start3A_165 = arith.constant 0 : i32
        %dma_start3A_166 = arith.constant 0 : i32
        %dma_start3A_167 = tpu.memref_slice %arg10[%dma_start3A_165, %dma_start3A_166] : memref<10112x128xf32, #tpu.memory_space<vmem_shared>> -> memref<10112x128xf32, #tpu.memory_space<vmem_shared>>
        tpu.enqueue_indirect_dma source(%arg9 : memref<128x128xf32, #tpu.memory_space<vmem>>) target(%dma_start3A_167 : memref<10112x128xf32, #tpu.memory_space<vmem_shared>>) offsets(%dma_start3A_164 : memref<128xi32, #tpu.memory_space<vmem>>) semaphore(%run_scoped3A : memref<!tpu.dma_semaphore, #tpu.memory_space<semaphore_mem>>) {add = true}
        %dma_wait3A_168 = arith.constant 0 : i32
        %dma_wait3A_169 = tpu.memref_slice %arg6[%add3A_131, %dma_wait3A_168] : memref<64x128xi32, #tpu.memory_space<vmem>> -> memref<1x128xi32, #tpu.memory_space<vmem>>
        %dma_wait3A_170 = tpu.memref_squeeze %dma_wait3A_169 : memref<1x128xi32, #tpu.memory_space<vmem>> -> memref<128xi32, #tpu.memory_space<vmem>>
        %dma_wait3A_171 = arith.constant 0 : i32
        %dma_wait3A_172 = arith.constant 0 : i32
        %dma_wait3A_173 = tpu.memref_slice %arg10[%dma_wait3A_171, %dma_wait3A_172] : memref<10112x128xf32, #tpu.memory_space<vmem_shared>> -> memref<10112x128xf32, #tpu.memory_space<vmem_shared>>
        tpu.wait_indirect_dma semaphore(%run_scoped3A : memref<!tpu.dma_semaphore, #tpu.memory_space<semaphore_mem>>) src(%arg9 : memref<128x128xf32, #tpu.memory_space<vmem>>) dst(%dma_wait3A_173 : memref<10112x128xf32, #tpu.memory_space<vmem_shared>>)
        tpu.yield
      }) : () -> ()
      %add3A_132 = arith.constant 1 : i32
      %add3A_133 = arith.addi %while3A_80, %add3A_132 : i32
      %jit3A_134 = arith.constant 2 : i32
      %div3A_135 = arith.divsi %select_n3A, %jit3A_134 : i32
      %sign3A_136 = arith.constant 0 : i32
      %sign3A_137 = arith.cmpi sgt, %select_n3A, %sign3A_136 : i32
      %sign3A_138 = arith.extui %sign3A_137 : i1 to i32
      %sign3A_139 = arith.constant 0 : i32
      %sign3A_140 = arith.cmpi slt, %select_n3A, %sign3A_139 : i32
      %sign3A_141 = arith.extui %sign3A_140 : i1 to i32
      %sign3A_142 = arith.subi %sign3A_138, %sign3A_141 : i32
      %sign3A_143 = arith.constant 0 : i32
      %sign3A_144 = arith.cmpi sgt, %jit3A_134, %sign3A_143 : i32
      %sign3A_145 = arith.extui %sign3A_144 : i1 to i32
      %sign3A_146 = arith.constant 0 : i32
      %sign3A_147 = arith.cmpi slt, %jit3A_134, %sign3A_146 : i32
      %sign3A_148 = arith.extui %sign3A_147 : i1 to i32
      %sign3A_149 = arith.subi %sign3A_145, %sign3A_148 : i32
      %ne3A_150 = arith.cmpi ne, %sign3A_142, %sign3A_149 : i32
      %rem3A_151 = arith.remsi %select_n3A, %jit3A_134 : i32
      %ne3A_152 = arith.constant 0 : i32
      %ne3A_153 = arith.cmpi ne, %rem3A_151, %ne3A_152 : i32
      %and3A_154 = arith.andi %ne3A_150, %ne3A_153 : i1
      %sub3A_155 = arith.constant 1 : i32
      %sub3A_156 = arith.subi %div3A_135, %sub3A_155 : i32
      %select_n3A_157 = arith.select %and3A_154, %sub3A_156, %div3A_135 : i32
      %lt3A_158 = arith.cmpi slt, %add3A_133, %select_n3A_157 : i32
      %convert_element_type3A_159 = arith.extui %lt3A_158 : i1 to i32
      %cond3A_160 = arith.constant 0 : i32
      %cond3A_161 = arith.cmpi ne, %convert_element_type3A_159, %cond3A_160 : i32
      scf.if %cond3A_161 {
        %mul3A_162 = arith.constant 2 : i32
        %mul3A_163 = arith.muli %mul3A_162, %while3A_80 : i32
        %add3A_164 = arith.constant 3 : i32
        %add3A_165 = arith.addi %mul3A_163, %add3A_164 : i32
        %dma_start3A_166 = arith.constant 0 : i32
        %dma_start3A_167 = tpu.memref_slice %arg7[%add3A_165, %dma_start3A_166] : memref<64x128xi32, #tpu.memory_space<vmem>> -> memref<1x128xi32, #tpu.memory_space<vmem>>
        %dma_start3A_168 = tpu.memref_squeeze %dma_start3A_167 : memref<1x128xi32, #tpu.memory_space<vmem>> -> memref<128xi32, #tpu.memory_space<vmem>>
        %dma_start3A_169 = arith.constant 0 : i32
        %dma_start3A_170 = arith.constant 0 : i32
        %dma_start3A_171 = tpu.memref_slice %arg2[%dma_start3A_169, %dma_start3A_170] : memref<190000x128xf32, #tpu.memory_space<hbm>> -> memref<190000x128xf32, #tpu.memory_space<hbm>>
        tpu.enqueue_indirect_dma source(%dma_start3A_171 : memref<190000x128xf32, #tpu.memory_space<hbm>>) target(%arg9 : memref<128x128xf32, #tpu.memory_space<vmem>>) offsets(%dma_start3A_168 : memref<128xi32, #tpu.memory_space<vmem>>) semaphore(%arg13 : memref<!tpu.dma_semaphore, #tpu.memory_space<semaphore_mem>>)
      } else {
      }
    }
    %barrier3A_79 = arith.constant 0 : index
    tpu.barrier barrier_id(%barrier3A_79)
    "tpu.region"() ({
      %run_scoped3A = tpu.sem_alloc : memref<!tpu.dma_semaphore, #tpu.memory_space<semaphore_mem>>
      %dma_start3A_80 = arith.constant 0 : i32
      %dma_start3A_81 = tpu.memref_slice %arg5[%arg0, %mul3A_0, %dma_start3A_80] : memref<2x10112x128xf32, #tpu.memory_space<hbm>> -> memref<1x632x128xf32, #tpu.memory_space<hbm>>
      %dma_start3A_82 = tpu.memref_squeeze %dma_start3A_81 : memref<1x632x128xf32, #tpu.memory_space<hbm>> -> memref<632x128xf32, #tpu.memory_space<hbm>>
      %dma_start3A_83 = arith.constant 0 : i32
      %dma_start3A_84 = tpu.memref_slice %arg10[%mul3A_0, %dma_start3A_83] : memref<10112x128xf32, #tpu.memory_space<vmem_shared>> -> memref<632x128xf32, #tpu.memory_space<vmem_shared>>
      tpu.enqueue_dma source(%dma_start3A_84 : memref<632x128xf32, #tpu.memory_space<vmem_shared>>) target(%dma_start3A_82 : memref<632x128xf32, #tpu.memory_space<hbm>>) target_semaphore(%run_scoped3A : memref<!tpu.dma_semaphore, #tpu.memory_space<semaphore_mem>>)
      %dma_wait3A_85 = arith.constant 0 : i32
      %dma_wait3A_86 = tpu.memref_slice %arg5[%arg0, %mul3A_0, %dma_wait3A_85] : memref<2x10112x128xf32, #tpu.memory_space<hbm>> -> memref<1x632x128xf32, #tpu.memory_space<hbm>>
      %dma_wait3A_87 = tpu.memref_squeeze %dma_wait3A_86 : memref<1x632x128xf32, #tpu.memory_space<hbm>> -> memref<632x128xf32, #tpu.memory_space<hbm>>
      %dma_wait3A_88 = arith.constant 0 : i32
      %dma_wait3A_89 = tpu.memref_slice %arg10[%mul3A_0, %dma_wait3A_88] : memref<10112x128xf32, #tpu.memory_space<vmem_shared>> -> memref<632x128xf32, #tpu.memory_space<vmem_shared>>
      tpu.wait_dma2 semaphore(%run_scoped3A : memref<!tpu.dma_semaphore, #tpu.memory_space<semaphore_mem>>) src(%dma_wait3A_89 : memref<632x128xf32, #tpu.memory_space<vmem_shared>>) dst(%dma_wait3A_87 : memref<632x128xf32, #tpu.memory_space<hbm>>)
      tpu.yield
    }) : () -> ()
    return
  }
}

#map = affine_map<(d0, d1) -> (0, 0)>
#map1 = affine_map<(d0, d1) -> (0, 0, 0)>
module attributes {stable_mosaic.version = 14 : i64} {
  func.func @sc_msgpass(%arg0: i32, %arg1: i32, %arg2: memref<190000x128xf32, #tpu.memory_space<hbm>>, %arg3: memref<1328x128xi32, #tpu.memory_space<hbm>>, %arg4: memref<1328x128xi32, #tpu.memory_space<hbm>>, %arg5: memref<2x10112x128xf32, #tpu.memory_space<hbm>>, %arg6: memref<64x128xi32, #tpu.memory_space<vmem>>, %arg7: memref<64x128xi32, #tpu.memory_space<vmem>>, %arg8: memref<128x128xf32, #tpu.memory_space<vmem>>, %arg9: memref<128x128xf32, #tpu.memory_space<vmem>>, %arg10: memref<10112x128xf32, #tpu.memory_space<vmem_shared>>, %arg11: memref<!tpu.dma_semaphore, #tpu.memory_space<semaphore_mem>>, %arg12: memref<!tpu.dma_semaphore, #tpu.memory_space<semaphore_mem>>, %arg13: memref<!tpu.dma_semaphore, #tpu.memory_space<semaphore_mem>>) attributes {dimension_semantics = [#tpu.dimension_semantics<core_parallel>, #tpu.dimension_semantics<subcore_parallel>], iteration_bounds = array<i64: 2, 16>, scalar_prefetch = 0 : i64, scratch_operands = 8 : i64, tpu.core_type = #tpu.core_type<sc_vector_subcore>, window_params = [{transform_indices = #map}, {transform_indices = #map}, {transform_indices = #map}, {transform_indices = #map1}]} {
    %mul3A = arith.constant 632 : i32
    %mul3A_0 = arith.muli %arg1, %mul3A : i32
    %eq3A = arith.constant 0 : i32
    %eq3A_1 = arith.cmpi eq, %arg0, %eq3A : i32
    %jit3A = arith.constant 64 : i32
    %jit3A_2 = arith.constant 16 : i32
    %select_n3A = arith.select %eq3A_1, %jit3A, %jit3A_2 : i32
    %eq3A_3 = arith.constant 0 : i32
    %eq3A_4 = arith.cmpi eq, %arg0, %eq3A_3 : i32
    %mul3A_5 = arith.constant 64 : i32
    %mul3A_6 = arith.muli %arg1, %mul3A_5 : i32
    %mul3A_7 = arith.constant 16 : i32
    %mul3A_8 = arith.muli %arg1, %mul3A_7 : i32
    %add3A = arith.constant 1024 : i32
    %add3A_9 = arith.addi %add3A, %mul3A_8 : i32
    %select_n3A_10 = arith.select %eq3A_4, %mul3A_6, %add3A_9 : i32
    %dma_start3A = arith.constant 0 : i32
    %dma_start3A_11 = tpu.memref_slice %arg3[%select_n3A_10, %dma_start3A] : memref<1328x128xi32, #tpu.memory_space<hbm>> -> memref<64x128xi32, #tpu.memory_space<hbm>>
    %dma_start3A_12 = arith.constant 0 : i32
    %dma_start3A_13 = tpu.memref_slice %arg3[%select_n3A_10, %dma_start3A_12] : memref<1328x128xi32, #tpu.memory_space<hbm>> -> memref<64x128xi32, #tpu.memory_space<hbm>>
    tpu.enqueue_dma source(%dma_start3A_13 : memref<64x128xi32, #tpu.memory_space<hbm>>) target(%arg7 : memref<64x128xi32, #tpu.memory_space<vmem>>) target_semaphore(%arg11 : memref<!tpu.dma_semaphore, #tpu.memory_space<semaphore_mem>>)
    %dma_start3A_14 = arith.constant 0 : i32
    %dma_start3A_15 = tpu.memref_slice %arg4[%select_n3A_10, %dma_start3A_14] : memref<1328x128xi32, #tpu.memory_space<hbm>> -> memref<64x128xi32, #tpu.memory_space<hbm>>
    %dma_start3A_16 = arith.constant 0 : i32
    %dma_start3A_17 = tpu.memref_slice %arg4[%select_n3A_10, %dma_start3A_16] : memref<1328x128xi32, #tpu.memory_space<hbm>> -> memref<64x128xi32, #tpu.memory_space<hbm>>
    tpu.enqueue_dma source(%dma_start3A_17 : memref<64x128xi32, #tpu.memory_space<hbm>>) target(%arg6 : memref<64x128xi32, #tpu.memory_space<vmem>>) target_semaphore(%arg11 : memref<!tpu.dma_semaphore, #tpu.memory_space<semaphore_mem>>)
    %scan3A = arith.constant 0 : i32
    %scan3A_18 = arith.constant 0 : i32
    %scan3A_19 = arith.constant 128 : i32
    %scan3A_20 = arith.addi %scan3A_18, %scan3A_19 : i32
    %scan3A_21 = arith.constant 1 : i32
    scf.for %scan3A_80 = %scan3A_18 to %scan3A_20 step %scan3A_21  : i32 {
      %broadcast_in_dim3A = arith.constant 0.000000e+00 : f32
      %broadcast_in_dim3A_81 = vector.broadcast %broadcast_in_dim3A : f32 to vector<16xf32>
      %swap3A = arith.index_cast %scan3A_80 : i32 to index
      %swap3A_82 = arith.constant 0 : index
      %swap3A_83 = tpu.vector_load %arg8[%swap3A, %swap3A_82] {strides = array<i32>} : memref<128x128xf32, #tpu.memory_space<vmem>>, vector<1x16xf32>,
      %swap3A_84 = vector.shape_cast %swap3A_83 : vector<1x16xf32> to vector<16xf32>
      %swap3A_85 = vector.shape_cast %broadcast_in_dim3A_81 : vector<16xf32> to vector<1x16xf32>
      tpu.vector_store %arg8[%swap3A, %swap3A_82], %swap3A_85 {strides = array<i32>} : memref<128x128xf32, #tpu.memory_space<vmem>>, vector<1x16xf32>,
      %broadcast_in_dim3A_86 = arith.constant 0.000000e+00 : f32
      %broadcast_in_dim3A_87 = vector.broadcast %broadcast_in_dim3A_86 : f32 to vector<16xf32>
      %swap3A_88 = arith.index_cast %scan3A_80 : i32 to index
      %swap3A_89 = arith.constant 16 : index
      %swap3A_90 = tpu.vector_load %arg8[%swap3A_88, %swap3A_89] {strides = array<i32>} : memref<128x128xf32, #tpu.memory_space<vmem>>, vector<1x16xf32>,
      %swap3A_91 = vector.shape_cast %swap3A_90 : vector<1x16xf32> to vector<16xf32>
      %swap3A_92 = vector.shape_cast %broadcast_in_dim3A_87 : vector<16xf32> to vector<1x16xf32>
      tpu.vector_store %arg8[%swap3A_88, %swap3A_89], %swap3A_92 {strides = array<i32>} : memref<128x128xf32, #tpu.memory_space<vmem>>, vector<1x16xf32>,
      %broadcast_in_dim3A_93 = arith.constant 0.000000e+00 : f32
      %broadcast_in_dim3A_94 = vector.broadcast %broadcast_in_dim3A_93 : f32 to vector<16xf32>
      %swap3A_95 = arith.index_cast %scan3A_80 : i32 to index
      %swap3A_96 = arith.constant 32 : index
      %swap3A_97 = tpu.vector_load %arg8[%swap3A_95, %swap3A_96] {strides = array<i32>} : memref<128x128xf32, #tpu.memory_space<vmem>>, vector<1x16xf32>,
      %swap3A_98 = vector.shape_cast %swap3A_97 : vector<1x16xf32> to vector<16xf32>
      %swap3A_99 = vector.shape_cast %broadcast_in_dim3A_94 : vector<16xf32> to vector<1x16xf32>
      tpu.vector_store %arg8[%swap3A_95, %swap3A_96], %swap3A_99 {strides = array<i32>} : memref<128x128xf32, #tpu.memory_space<vmem>>, vector<1x16xf32>,
      %broadcast_in_dim3A_100 = arith.constant 0.000000e+00 : f32
      %broadcast_in_dim3A_101 = vector.broadcast %broadcast_in_dim3A_100 : f32 to vector<16xf32>
      %swap3A_102 = arith.index_cast %scan3A_80 : i32 to index
      %swap3A_103 = arith.constant 48 : index
      %swap3A_104 = tpu.vector_load %arg8[%swap3A_102, %swap3A_103] {strides = array<i32>} : memref<128x128xf32, #tpu.memory_space<vmem>>, vector<1x16xf32>,
      %swap3A_105 = vector.shape_cast %swap3A_104 : vector<1x16xf32> to vector<16xf32>
      %swap3A_106 = vector.shape_cast %broadcast_in_dim3A_101 : vector<16xf32> to vector<1x16xf32>
      tpu.vector_store %arg8[%swap3A_102, %swap3A_103], %swap3A_106 {strides = array<i32>} : memref<128x128xf32, #tpu.memory_space<vmem>>, vector<1x16xf32>,
      %broadcast_in_dim3A_107 = arith.constant 0.000000e+00 : f32
      %broadcast_in_dim3A_108 = vector.broadcast %broadcast_in_dim3A_107 : f32 to vector<16xf32>
      %swap3A_109 = arith.index_cast %scan3A_80 : i32 to index
      %swap3A_110 = arith.constant 64 : index
      %swap3A_111 = tpu.vector_load %arg8[%swap3A_109, %swap3A_110] {strides = array<i32>} : memref<128x128xf32, #tpu.memory_space<vmem>>, vector<1x16xf32>,
      %swap3A_112 = vector.shape_cast %swap3A_111 : vector<1x16xf32> to vector<16xf32>
      %swap3A_113 = vector.shape_cast %broadcast_in_dim3A_108 : vector<16xf32> to vector<1x16xf32>
      tpu.vector_store %arg8[%swap3A_109, %swap3A_110], %swap3A_113 {strides = array<i32>} : memref<128x128xf32, #tpu.memory_space<vmem>>, vector<1x16xf32>,
      %broadcast_in_dim3A_114 = arith.constant 0.000000e+00 : f32
      %broadcast_in_dim3A_115 = vector.broadcast %broadcast_in_dim3A_114 : f32 to vector<16xf32>
      %swap3A_116 = arith.index_cast %scan3A_80 : i32 to index
      %swap3A_117 = arith.constant 80 : index
      %swap3A_118 = tpu.vector_load %arg8[%swap3A_116, %swap3A_117] {strides = array<i32>} : memref<128x128xf32, #tpu.memory_space<vmem>>, vector<1x16xf32>,
      %swap3A_119 = vector.shape_cast %swap3A_118 : vector<1x16xf32> to vector<16xf32>
      %swap3A_120 = vector.shape_cast %broadcast_in_dim3A_115 : vector<16xf32> to vector<1x16xf32>
      tpu.vector_store %arg8[%swap3A_116, %swap3A_117], %swap3A_120 {strides = array<i32>} : memref<128x128xf32, #tpu.memory_space<vmem>>, vector<1x16xf32>,
      %broadcast_in_dim3A_121 = arith.constant 0.000000e+00 : f32
      %broadcast_in_dim3A_122 = vector.broadcast %broadcast_in_dim3A_121 : f32 to vector<16xf32>
      %swap3A_123 = arith.index_cast %scan3A_80 : i32 to index
      %swap3A_124 = arith.constant 96 : index
      %swap3A_125 = tpu.vector_load %arg8[%swap3A_123, %swap3A_124] {strides = array<i32>} : memref<128x128xf32, #tpu.memory_space<vmem>>, vector<1x16xf32>,
      %swap3A_126 = vector.shape_cast %swap3A_125 : vector<1x16xf32> to vector<16xf32>
      %swap3A_127 = vector.shape_cast %broadcast_in_dim3A_122 : vector<16xf32> to vector<1x16xf32>
      tpu.vector_store %arg8[%swap3A_123, %swap3A_124], %swap3A_127 {strides = array<i32>} : memref<128x128xf32, #tpu.memory_space<vmem>>, vector<1x16xf32>,
      %broadcast_in_dim3A_128 = arith.constant 0.000000e+00 : f32
      %broadcast_in_dim3A_129 = vector.broadcast %broadcast_in_dim3A_128 : f32 to vector<16xf32>
      %swap3A_130 = arith.index_cast %scan3A_80 : i32 to index
      %swap3A_131 = arith.constant 112 : index
      %swap3A_132 = tpu.vector_load %arg8[%swap3A_130, %swap3A_131] {strides = array<i32>} : memref<128x128xf32, #tpu.memory_space<vmem>>, vector<1x16xf32>,
      %swap3A_133 = vector.shape_cast %swap3A_132 : vector<1x16xf32> to vector<16xf32>
      %swap3A_134 = vector.shape_cast %broadcast_in_dim3A_129 : vector<16xf32> to vector<1x16xf32>
      tpu.vector_store %arg8[%swap3A_130, %swap3A_131], %swap3A_134 {strides = array<i32>} : memref<128x128xf32, #tpu.memory_space<vmem>>, vector<1x16xf32>,
    }
    %scan3A_22 = arith.constant 128 : i32
    %scan3A_23 = arith.constant 0 : i32
    %scan3A_24 = arith.constant 0 : i32
    %scan3A_25 = arith.constant 4 : i32
    %scan3A_26 = arith.addi %scan3A_24, %scan3A_25 : i32
    %scan3A_27 = arith.constant 1 : i32
    scf.for %scan3A_80 = %scan3A_24 to %scan3A_26 step %scan3A_27  : i32 {
      %mul3A_81 = arith.constant 128 : i32
      %mul3A_82 = arith.muli %scan3A_80, %mul3A_81 : i32
      %add3A_83 = arith.addi %mul3A_0, %mul3A_82 : i32
      "tpu.region"() ({
        %run_scoped3A = tpu.sem_alloc : memref<!tpu.dma_semaphore, #tpu.memory_space<semaphore_mem>>
        %dma_start3A_84 = arith.constant 0 : i32
        %dma_start3A_85 = tpu.memref_slice %arg10[%add3A_83, %dma_start3A_84] : memref<10112x128xf32, #tpu.memory_space<vmem_shared>> -> memref<128x128xf32, #tpu.memory_space<vmem_shared>>
        %dma_start3A_86 = arith.constant 0 : i32
        %dma_start3A_87 = tpu.memref_slice %arg10[%add3A_83, %dma_start3A_86] : memref<10112x128xf32, #tpu.memory_space<vmem_shared>> -> memref<128x128xf32, #tpu.memory_space<vmem_shared>>
        tpu.enqueue_dma source(%arg8 : memref<128x128xf32, #tpu.memory_space<vmem>>) target(%dma_start3A_87 : memref<128x128xf32, #tpu.memory_space<vmem_shared>>) target_semaphore(%run_scoped3A : memref<!tpu.dma_semaphore, #tpu.memory_space<semaphore_mem>>)
        %dma_wait3A_88 = arith.constant 0 : i32
        %dma_wait3A_89 = tpu.memref_slice %arg10[%add3A_83, %dma_wait3A_88] : memref<10112x128xf32, #tpu.memory_space<vmem_shared>> -> memref<128x128xf32, #tpu.memory_space<vmem_shared>>
        %dma_wait3A_90 = arith.constant 0 : i32
        %dma_wait3A_91 = tpu.memref_slice %arg10[%add3A_83, %dma_wait3A_90] : memref<10112x128xf32, #tpu.memory_space<vmem_shared>> -> memref<128x128xf32, #tpu.memory_space<vmem_shared>>
        tpu.wait_dma2 semaphore(%run_scoped3A : memref<!tpu.dma_semaphore, #tpu.memory_space<semaphore_mem>>) src(%arg8 : memref<128x128xf32, #tpu.memory_space<vmem>>) dst(%dma_wait3A_91 : memref<128x128xf32, #tpu.memory_space<vmem_shared>>)
        tpu.yield
      }) : () -> ()
    }
    %scan3A_28 = arith.constant 4 : i32
    %add3A_29 = arith.constant 512 : i32
    %add3A_30 = arith.addi %mul3A_0, %add3A_29 : i32
    "tpu.region"() ({
      %run_scoped3A = tpu.sem_alloc : memref<!tpu.dma_semaphore, #tpu.memory_space<semaphore_mem>>
      %dma_start3A_80 = arith.constant 0 : i32
      %dma_start3A_81 = arith.constant 0 : i32
      %dma_start3A_82 = tpu.memref_slice %arg8[%dma_start3A_80, %dma_start3A_81] : memref<128x128xf32, #tpu.memory_space<vmem>> -> memref<120x128xf32, #tpu.memory_space<vmem>>
      %dma_start3A_83 = arith.constant 0 : i32
      %dma_start3A_84 = tpu.memref_slice %arg10[%add3A_30, %dma_start3A_83] : memref<10112x128xf32, #tpu.memory_space<vmem_shared>> -> memref<120x128xf32, #tpu.memory_space<vmem_shared>>
      %dma_start3A_85 = arith.constant 0 : i32
      %dma_start3A_86 = tpu.memref_slice %arg10[%add3A_30, %dma_start3A_85] : memref<10112x128xf32, #tpu.memory_space<vmem_shared>> -> memref<120x128xf32, #tpu.memory_space<vmem_shared>>
      %dma_start3A_87 = arith.constant 0 : i32
      %dma_start3A_88 = arith.constant 0 : i32
      %dma_start3A_89 = tpu.memref_slice %arg8[%dma_start3A_87, %dma_start3A_88] : memref<128x128xf32, #tpu.memory_space<vmem>> -> memref<120x128xf32, #tpu.memory_space<vmem>>
      tpu.enqueue_dma source(%dma_start3A_89 : memref<120x128xf32, #tpu.memory_space<vmem>>) target(%dma_start3A_86 : memref<120x128xf32, #tpu.memory_space<vmem_shared>>) target_semaphore(%run_scoped3A : memref<!tpu.dma_semaphore, #tpu.memory_space<semaphore_mem>>)
      %dma_wait3A_90 = arith.constant 0 : i32
      %dma_wait3A_91 = arith.constant 0 : i32
      %dma_wait3A_92 = tpu.memref_slice %arg8[%dma_wait3A_90, %dma_wait3A_91] : memref<128x128xf32, #tpu.memory_space<vmem>> -> memref<120x128xf32, #tpu.memory_space<vmem>>
      %dma_wait3A_93 = arith.constant 0 : i32
      %dma_wait3A_94 = tpu.memref_slice %arg10[%add3A_30, %dma_wait3A_93] : memref<10112x128xf32, #tpu.memory_space<vmem_shared>> -> memref<120x128xf32, #tpu.memory_space<vmem_shared>>
      %dma_wait3A_95 = arith.constant 0 : i32
      %dma_wait3A_96 = tpu.memref_slice %arg10[%add3A_30, %dma_wait3A_95] : memref<10112x128xf32, #tpu.memory_space<vmem_shared>> -> memref<120x128xf32, #tpu.memory_space<vmem_shared>>
      %dma_wait3A_97 = arith.constant 0 : i32
      %dma_wait3A_98 = arith.constant 0 : i32
      %dma_wait3A_99 = tpu.memref_slice %arg8[%dma_wait3A_97, %dma_wait3A_98] : memref<128x128xf32, #tpu.memory_space<vmem>> -> memref<120x128xf32, #tpu.memory_space<vmem>>
      tpu.wait_dma2 semaphore(%run_scoped3A : memref<!tpu.dma_semaphore, #tpu.memory_space<semaphore_mem>>) src(%dma_wait3A_99 : memref<120x128xf32, #tpu.memory_space<vmem>>) dst(%dma_wait3A_96 : memref<120x128xf32, #tpu.memory_space<vmem_shared>>)
      tpu.yield
    }) : () -> ()
    %dma_wait3A = arith.constant 0 : i32
    %dma_wait3A_31 = tpu.memref_slice %arg3[%select_n3A_10, %dma_wait3A] : memref<1328x128xi32, #tpu.memory_space<hbm>> -> memref<64x128xi32, #tpu.memory_space<hbm>>
    %dma_wait3A_32 = arith.constant 0 : i32
    %dma_wait3A_33 = tpu.memref_slice %arg3[%select_n3A_10, %dma_wait3A_32] : memref<1328x128xi32, #tpu.memory_space<hbm>> -> memref<64x128xi32, #tpu.memory_space<hbm>>
    tpu.wait_dma2 semaphore(%arg11 : memref<!tpu.dma_semaphore, #tpu.memory_space<semaphore_mem>>) src(%dma_wait3A_33 : memref<64x128xi32, #tpu.memory_space<hbm>>) dst(%arg7 : memref<64x128xi32, #tpu.memory_space<vmem>>)
    %dma_wait3A_34 = arith.constant 0 : i32
    %dma_wait3A_35 = tpu.memref_slice %arg4[%select_n3A_10, %dma_wait3A_34] : memref<1328x128xi32, #tpu.memory_space<hbm>> -> memref<64x128xi32, #tpu.memory_space<hbm>>
    %dma_wait3A_36 = arith.constant 0 : i32
    %dma_wait3A_37 = tpu.memref_slice %arg4[%select_n3A_10, %dma_wait3A_36] : memref<1328x128xi32, #tpu.memory_space<hbm>> -> memref<64x128xi32, #tpu.memory_space<hbm>>
    tpu.wait_dma2 semaphore(%arg11 : memref<!tpu.dma_semaphore, #tpu.memory_space<semaphore_mem>>) src(%dma_wait3A_37 : memref<64x128xi32, #tpu.memory_space<hbm>>) dst(%arg6 : memref<64x128xi32, #tpu.memory_space<vmem>>)
    %barrier3A = arith.constant 0 : index
    tpu.barrier barrier_id(%barrier3A)
    %dma_start3A_38 = arith.constant 0 : i32
    %dma_start3A_39 = arith.constant 0 : i32
    %dma_start3A_40 = tpu.memref_slice %arg7[%dma_start3A_38, %dma_start3A_39] : memref<64x128xi32, #tpu.memory_space<vmem>> -> memref<1x128xi32, #tpu.memory_space<vmem>>
    %dma_start3A_41 = tpu.memref_squeeze %dma_start3A_40 : memref<1x128xi32, #tpu.memory_space<vmem>> -> memref<128xi32, #tpu.memory_space<vmem>>
    %dma_start3A_42 = arith.constant 0 : i32
    %dma_start3A_43 = arith.constant 0 : i32
    %dma_start3A_44 = tpu.memref_slice %arg2[%dma_start3A_42, %dma_start3A_43] : memref<190000x128xf32, #tpu.memory_space<hbm>> -> memref<190000x128xf32, #tpu.memory_space<hbm>>
    tpu.enqueue_indirect_dma source(%dma_start3A_44 : memref<190000x128xf32, #tpu.memory_space<hbm>>) target(%arg8 : memref<128x128xf32, #tpu.memory_space<vmem>>) offsets(%dma_start3A_41 : memref<128xi32, #tpu.memory_space<vmem>>) semaphore(%arg12 : memref<!tpu.dma_semaphore, #tpu.memory_space<semaphore_mem>>)
    %dma_start3A_45 = arith.constant 1 : i32
    %dma_start3A_46 = arith.constant 0 : i32
    %dma_start3A_47 = tpu.memref_slice %arg7[%dma_start3A_45, %dma_start3A_46] : memref<64x128xi32, #tpu.memory_space<vmem>> -> memref<1x128xi32, #tpu.memory_space<vmem>>
    %dma_start3A_48 = tpu.memref_squeeze %dma_start3A_47 : memref<1x128xi32, #tpu.memory_space<vmem>> -> memref<128xi32, #tpu.memory_space<vmem>>
    %dma_start3A_49 = arith.constant 0 : i32
    %dma_start3A_50 = arith.constant 0 : i32
    %dma_start3A_51 = tpu.memref_slice %arg2[%dma_start3A_49, %dma_start3A_50] : memref<190000x128xf32, #tpu.memory_space<hbm>> -> memref<190000x128xf32, #tpu.memory_space<hbm>>
    tpu.enqueue_indirect_dma source(%dma_start3A_51 : memref<190000x128xf32, #tpu.memory_space<hbm>>) target(%arg9 : memref<128x128xf32, #tpu.memory_space<vmem>>) offsets(%dma_start3A_48 : memref<128xi32, #tpu.memory_space<vmem>>) semaphore(%arg13 : memref<!tpu.dma_semaphore, #tpu.memory_space<semaphore_mem>>)
    %jit3A_52 = arith.constant 2 : i32
    %div3A = arith.divsi %select_n3A, %jit3A_52 : i32
    %sign3A = arith.constant 0 : i32
    %sign3A_53 = arith.cmpi sgt, %select_n3A, %sign3A : i32
    %sign3A_54 = arith.extui %sign3A_53 : i1 to i32
    %sign3A_55 = arith.constant 0 : i32
    %sign3A_56 = arith.cmpi slt, %select_n3A, %sign3A_55 : i32
    %sign3A_57 = arith.extui %sign3A_56 : i1 to i32
    %sign3A_58 = arith.subi %sign3A_54, %sign3A_57 : i32
    %sign3A_59 = arith.constant 0 : i32
    %sign3A_60 = arith.cmpi sgt, %jit3A_52, %sign3A_59 : i32
    %sign3A_61 = arith.extui %sign3A_60 : i1 to i32
    %sign3A_62 = arith.constant 0 : i32
    %sign3A_63 = arith.cmpi slt, %jit3A_52, %sign3A_62 : i32
    %sign3A_64 = arith.extui %sign3A_63 : i1 to i32
    %sign3A_65 = arith.subi %sign3A_61, %sign3A_64 : i32
    %ne3A = arith.cmpi ne, %sign3A_58, %sign3A_65 : i32
    %rem3A = arith.remsi %select_n3A, %jit3A_52 : i32
    %ne3A_66 = arith.constant 0 : i32
    %ne3A_67 = arith.cmpi ne, %rem3A, %ne3A_66 : i32
    %and3A = arith.andi %ne3A, %ne3A_67 : i1
    %sub3A = arith.constant 1 : i32
    %sub3A_68 = arith.subi %div3A, %sub3A : i32
    %select_n3A_69 = arith.select %and3A, %sub3A_68, %div3A : i32
    %while3A = arith.constant 0 : i32
    %while3A_70 = arith.constant 0 : i32
    %while3A_71 = arith.subi %select_n3A_69, %while3A_70 : i32
    %while3A_72 = arith.addi %while3A_70, %while3A_71 : i32
    %while3A_73 = arith.constant 1 : i32
    %while3A_74 = arith.divsi %while3A_71, %while3A_73 : i32
    %while3A_75 = arith.muli %while3A_74, %while3A_73 : i32
    %while3A_76 = arith.addi %while3A_70, %while3A_75 : i32
    %while3A_77 = arith.constant 1 : i32
    scf.for %while3A_80 = %while3A_70 to %while3A_76 step %while3A_77  : i32 {
      %mul3A_81 = arith.constant 2 : i32
      %mul3A_82 = arith.muli %mul3A_81, %while3A_80 : i32
      %dma_wait3A_83 = arith.constant 0 : i32
      %dma_wait3A_84 = tpu.memref_slice %arg7[%mul3A_82, %dma_wait3A_83] : memref<64x128xi32, #tpu.memory_space<vmem>> -> memref<1x128xi32, #tpu.memory_space<vmem>>
      %dma_wait3A_85 = tpu.memref_squeeze %dma_wait3A_84 : memref<1x128xi32, #tpu.memory_space<vmem>> -> memref<128xi32, #tpu.memory_space<vmem>>
      %dma_wait3A_86 = arith.constant 0 : i32
      %dma_wait3A_87 = arith.constant 0 : i32
      %dma_wait3A_88 = tpu.memref_slice %arg2[%dma_wait3A_86, %dma_wait3A_87] : memref<190000x128xf32, #tpu.memory_space<hbm>> -> memref<190000x128xf32, #tpu.memory_space<hbm>>
      tpu.wait_indirect_dma semaphore(%arg12 : memref<!tpu.dma_semaphore, #tpu.memory_space<semaphore_mem>>) src(%dma_wait3A_88 : memref<190000x128xf32, #tpu.memory_space<hbm>>) dst(%arg8 : memref<128x128xf32, #tpu.memory_space<vmem>>)
      %mul3A_89 = arith.constant 2 : i32
      %mul3A_90 = arith.muli %mul3A_89, %while3A_80 : i32
      "tpu.region"() ({
        %run_scoped3A = tpu.sem_alloc : memref<!tpu.dma_semaphore, #tpu.memory_space<semaphore_mem>>
        %dma_start3A_162 = arith.constant 0 : i32
        %dma_start3A_163 = tpu.memref_slice %arg6[%mul3A_90, %dma_start3A_162] : memref<64x128xi32, #tpu.memory_space<vmem>> -> memref<1x128xi32, #tpu.memory_space<vmem>>
        %dma_start3A_164 = tpu.memref_squeeze %dma_start3A_163 : memref<1x128xi32, #tpu.memory_space<vmem>> -> memref<128xi32, #tpu.memory_space<vmem>>
        %dma_start3A_165 = arith.constant 0 : i32
        %dma_start3A_166 = arith.constant 0 : i32
        %dma_start3A_167 = tpu.memref_slice %arg10[%dma_start3A_165, %dma_start3A_166] : memref<10112x128xf32, #tpu.memory_space<vmem_shared>> -> memref<10112x128xf32, #tpu.memory_space<vmem_shared>>
        tpu.enqueue_indirect_dma source(%arg8 : memref<128x128xf32, #tpu.memory_space<vmem>>) target(%dma_start3A_167 : memref<10112x128xf32, #tpu.memory_space<vmem_shared>>) offsets(%dma_start3A_164 : memref<128xi32, #tpu.memory_space<vmem>>) semaphore(%run_scoped3A : memref<!tpu.dma_semaphore, #tpu.memory_space<semaphore_mem>>) {add = true}
        %dma_wait3A_168 = arith.constant 0 : i32
        %dma_wait3A_169 = tpu.memref_slice %arg6[%mul3A_90, %dma_wait3A_168] : memref<64x128xi32, #tpu.memory_space<vmem>> -> memref<1x128xi32, #tpu.memory_space<vmem>>
        %dma_wait3A_170 = tpu.memref_squeeze %dma_wait3A_169 : memref<1x128xi32, #tpu.memory_space<vmem>> -> memref<128xi32, #tpu.memory_space<vmem>>
        %dma_wait3A_171 = arith.constant 0 : i32
        %dma_wait3A_172 = arith.constant 0 : i32
        %dma_wait3A_173 = tpu.memref_slice %arg10[%dma_wait3A_171, %dma_wait3A_172] : memref<10112x128xf32, #tpu.memory_space<vmem_shared>> -> memref<10112x128xf32, #tpu.memory_space<vmem_shared>>
        tpu.wait_indirect_dma semaphore(%run_scoped3A : memref<!tpu.dma_semaphore, #tpu.memory_space<semaphore_mem>>) src(%arg8 : memref<128x128xf32, #tpu.memory_space<vmem>>) dst(%dma_wait3A_173 : memref<10112x128xf32, #tpu.memory_space<vmem_shared>>)
        tpu.yield
      }) : () -> ()
      %add3A_91 = arith.constant 1 : i32
      %add3A_92 = arith.addi %while3A_80, %add3A_91 : i32
      %jit3A_93 = arith.constant 2 : i32
      %div3A_94 = arith.divsi %select_n3A, %jit3A_93 : i32
      %sign3A_95 = arith.constant 0 : i32
      %sign3A_96 = arith.cmpi sgt, %select_n3A, %sign3A_95 : i32
      %sign3A_97 = arith.extui %sign3A_96 : i1 to i32
      %sign3A_98 = arith.constant 0 : i32
      %sign3A_99 = arith.cmpi slt, %select_n3A, %sign3A_98 : i32
      %sign3A_100 = arith.extui %sign3A_99 : i1 to i32
      %sign3A_101 = arith.subi %sign3A_97, %sign3A_100 : i32
      %sign3A_102 = arith.constant 0 : i32
      %sign3A_103 = arith.cmpi sgt, %jit3A_93, %sign3A_102 : i32
      %sign3A_104 = arith.extui %sign3A_103 : i1 to i32
      %sign3A_105 = arith.constant 0 : i32
      %sign3A_106 = arith.cmpi slt, %jit3A_93, %sign3A_105 : i32
      %sign3A_107 = arith.extui %sign3A_106 : i1 to i32
      %sign3A_108 = arith.subi %sign3A_104, %sign3A_107 : i32
      %ne3A_109 = arith.cmpi ne, %sign3A_101, %sign3A_108 : i32
      %rem3A_110 = arith.remsi %select_n3A, %jit3A_93 : i32
      %ne3A_111 = arith.constant 0 : i32
      %ne3A_112 = arith.cmpi ne, %rem3A_110, %ne3A_111 : i32
      %and3A_113 = arith.andi %ne3A_109, %ne3A_112 : i1
      %sub3A_114 = arith.constant 1 : i32
      %sub3A_115 = arith.subi %div3A_94, %sub3A_114 : i32
      %select_n3A_116 = arith.select %and3A_113, %sub3A_115, %div3A_94 : i32
      %lt3A = arith.cmpi slt, %add3A_92, %select_n3A_116 : i32
      %convert_element_type3A = arith.extui %lt3A : i1 to i32
      %cond3A = arith.constant 0 : i32
      %cond3A_117 = arith.cmpi ne, %convert_element_type3A, %cond3A : i32
      scf.if %cond3A_117 {
        %mul3A_162 = arith.constant 2 : i32
        %mul3A_163 = arith.muli %mul3A_162, %while3A_80 : i32
        %add3A_164 = arith.constant 2 : i32
        %add3A_165 = arith.addi %mul3A_163, %add3A_164 : i32
        %dma_start3A_166 = arith.constant 0 : i32
        %dma_start3A_167 = tpu.memref_slice %arg7[%add3A_165, %dma_start3A_166] : memref<64x128xi32, #tpu.memory_space<vmem>> -> memref<1x128xi32, #tpu.memory_space<vmem>>
        %dma_start3A_168 = tpu.memref_squeeze %dma_start3A_167 : memref<1x128xi32, #tpu.memory_space<vmem>> -> memref<128xi32, #tpu.memory_space<vmem>>
        %dma_start3A_169 = arith.constant 0 : i32
        %dma_start3A_170 = arith.constant 0 : i32
        %dma_start3A_171 = tpu.memref_slice %arg2[%dma_start3A_169, %dma_start3A_170] : memref<190000x128xf32, #tpu.memory_space<hbm>> -> memref<190000x128xf32, #tpu.memory_space<hbm>>
        tpu.enqueue_indirect_dma source(%dma_start3A_171 : memref<190000x128xf32, #tpu.memory_space<hbm>>) target(%arg8 : memref<128x128xf32, #tpu.memory_space<vmem>>) offsets(%dma_start3A_168 : memref<128xi32, #tpu.memory_space<vmem>>) semaphore(%arg12 : memref<!tpu.dma_semaphore, #tpu.memory_space<semaphore_mem>>)
      } else {
      }
      %mul3A_118 = arith.constant 2 : i32
      %mul3A_119 = arith.muli %mul3A_118, %while3A_80 : i32
      %add3A_120 = arith.constant 1 : i32
      %add3A_121 = arith.addi %mul3A_119, %add3A_120 : i32
      %dma_wait3A_122 = arith.constant 0 : i32
      %dma_wait3A_123 = tpu.memref_slice %arg7[%add3A_121, %dma_wait3A_122] : memref<64x128xi32, #tpu.memory_space<vmem>> -> memref<1x128xi32, #tpu.memory_space<vmem>>
      %dma_wait3A_124 = tpu.memref_squeeze %dma_wait3A_123 : memref<1x128xi32, #tpu.memory_space<vmem>> -> memref<128xi32, #tpu.memory_space<vmem>>
      %dma_wait3A_125 = arith.constant 0 : i32
      %dma_wait3A_126 = arith.constant 0 : i32
      %dma_wait3A_127 = tpu.memref_slice %arg2[%dma_wait3A_125, %dma_wait3A_126] : memref<190000x128xf32, #tpu.memory_space<hbm>> -> memref<190000x128xf32, #tpu.memory_space<hbm>>
      tpu.wait_indirect_dma semaphore(%arg13 : memref<!tpu.dma_semaphore, #tpu.memory_space<semaphore_mem>>) src(%dma_wait3A_127 : memref<190000x128xf32, #tpu.memory_space<hbm>>) dst(%arg9 : memref<128x128xf32, #tpu.memory_space<vmem>>)
      %mul3A_128 = arith.constant 2 : i32
      %mul3A_129 = arith.muli %mul3A_128, %while3A_80 : i32
      %add3A_130 = arith.constant 1 : i32
      %add3A_131 = arith.addi %mul3A_129, %add3A_130 : i32
      "tpu.region"() ({
        %run_scoped3A = tpu.sem_alloc : memref<!tpu.dma_semaphore, #tpu.memory_space<semaphore_mem>>
        %dma_start3A_162 = arith.constant 0 : i32
        %dma_start3A_163 = tpu.memref_slice %arg6[%add3A_131, %dma_start3A_162] : memref<64x128xi32, #tpu.memory_space<vmem>> -> memref<1x128xi32, #tpu.memory_space<vmem>>
        %dma_start3A_164 = tpu.memref_squeeze %dma_start3A_163 : memref<1x128xi32, #tpu.memory_space<vmem>> -> memref<128xi32, #tpu.memory_space<vmem>>
        %dma_start3A_165 = arith.constant 0 : i32
        %dma_start3A_166 = arith.constant 0 : i32
        %dma_start3A_167 = tpu.memref_slice %arg10[%dma_start3A_165, %dma_start3A_166] : memref<10112x128xf32, #tpu.memory_space<vmem_shared>> -> memref<10112x128xf32, #tpu.memory_space<vmem_shared>>
        tpu.enqueue_indirect_dma source(%arg9 : memref<128x128xf32, #tpu.memory_space<vmem>>) target(%dma_start3A_167 : memref<10112x128xf32, #tpu.memory_space<vmem_shared>>) offsets(%dma_start3A_164 : memref<128xi32, #tpu.memory_space<vmem>>) semaphore(%run_scoped3A : memref<!tpu.dma_semaphore, #tpu.memory_space<semaphore_mem>>) {add = true}
        %dma_wait3A_168 = arith.constant 0 : i32
        %dma_wait3A_169 = tpu.memref_slice %arg6[%add3A_131, %dma_wait3A_168] : memref<64x128xi32, #tpu.memory_space<vmem>> -> memref<1x128xi32, #tpu.memory_space<vmem>>
        %dma_wait3A_170 = tpu.memref_squeeze %dma_wait3A_169 : memref<1x128xi32, #tpu.memory_space<vmem>> -> memref<128xi32, #tpu.memory_space<vmem>>
        %dma_wait3A_171 = arith.constant 0 : i32
        %dma_wait3A_172 = arith.constant 0 : i32
        %dma_wait3A_173 = tpu.memref_slice %arg10[%dma_wait3A_171, %dma_wait3A_172] : memref<10112x128xf32, #tpu.memory_space<vmem_shared>> -> memref<10112x128xf32, #tpu.memory_space<vmem_shared>>
        tpu.wait_indirect_dma semaphore(%run_scoped3A : memref<!tpu.dma_semaphore, #tpu.memory_space<semaphore_mem>>) src(%arg9 : memref<128x128xf32, #tpu.memory_space<vmem>>) dst(%dma_wait3A_173 : memref<10112x128xf32, #tpu.memory_space<vmem_shared>>)
        tpu.yield
      }) : () -> ()
      %add3A_132 = arith.constant 1 : i32
      %add3A_133 = arith.addi %while3A_80, %add3A_132 : i32
      %jit3A_134 = arith.constant 2 : i32
      %div3A_135 = arith.divsi %select_n3A, %jit3A_134 : i32
      %sign3A_136 = arith.constant 0 : i32
      %sign3A_137 = arith.cmpi sgt, %select_n3A, %sign3A_136 : i32
      %sign3A_138 = arith.extui %sign3A_137 : i1 to i32
      %sign3A_139 = arith.constant 0 : i32
      %sign3A_140 = arith.cmpi slt, %select_n3A, %sign3A_139 : i32
      %sign3A_141 = arith.extui %sign3A_140 : i1 to i32
      %sign3A_142 = arith.subi %sign3A_138, %sign3A_141 : i32
      %sign3A_143 = arith.constant 0 : i32
      %sign3A_144 = arith.cmpi sgt, %jit3A_134, %sign3A_143 : i32
      %sign3A_145 = arith.extui %sign3A_144 : i1 to i32
      %sign3A_146 = arith.constant 0 : i32
      %sign3A_147 = arith.cmpi slt, %jit3A_134, %sign3A_146 : i32
      %sign3A_148 = arith.extui %sign3A_147 : i1 to i32
      %sign3A_149 = arith.subi %sign3A_145, %sign3A_148 : i32
      %ne3A_150 = arith.cmpi ne, %sign3A_142, %sign3A_149 : i32
      %rem3A_151 = arith.remsi %select_n3A, %jit3A_134 : i32
      %ne3A_152 = arith.constant 0 : i32
      %ne3A_153 = arith.cmpi ne, %rem3A_151, %ne3A_152 : i32
      %and3A_154 = arith.andi %ne3A_150, %ne3A_153 : i1
      %sub3A_155 = arith.constant 1 : i32
      %sub3A_156 = arith.subi %div3A_135, %sub3A_155 : i32
      %select_n3A_157 = arith.select %and3A_154, %sub3A_156, %div3A_135 : i32
      %lt3A_158 = arith.cmpi slt, %add3A_133, %select_n3A_157 : i32
      %convert_element_type3A_159 = arith.extui %lt3A_158 : i1 to i32
      %cond3A_160 = arith.constant 0 : i32
      %cond3A_161 = arith.cmpi ne, %convert_element_type3A_159, %cond3A_160 : i32
      scf.if %cond3A_161 {
        %mul3A_162 = arith.constant 2 : i32
        %mul3A_163 = arith.muli %mul3A_162, %while3A_80 : i32
        %add3A_164 = arith.constant 3 : i32
        %add3A_165 = arith.addi %mul3A_163, %add3A_164 : i32
        %dma_start3A_166 = arith.constant 0 : i32
        %dma_start3A_167 = tpu.memref_slice %arg7[%add3A_165, %dma_start3A_166] : memref<64x128xi32, #tpu.memory_space<vmem>> -> memref<1x128xi32, #tpu.memory_space<vmem>>
        %dma_start3A_168 = tpu.memref_squeeze %dma_start3A_167 : memref<1x128xi32, #tpu.memory_space<vmem>> -> memref<128xi32, #tpu.memory_space<vmem>>
        %dma_start3A_169 = arith.constant 0 : i32
        %dma_start3A_170 = arith.constant 0 : i32
        %dma_start3A_171 = tpu.memref_slice %arg2[%dma_start3A_169, %dma_start3A_170] : memref<190000x128xf32, #tpu.memory_space<hbm>> -> memref<190000x128xf32, #tpu.memory_space<hbm>>
        tpu.enqueue_indirect_dma source(%dma_start3A_171 : memref<190000x128xf32, #tpu.memory_space<hbm>>) target(%arg9 : memref<128x128xf32, #tpu.memory_space<vmem>>) offsets(%dma_start3A_168 : memref<128xi32, #tpu.memory_space<vmem>>) semaphore(%arg13 : memref<!tpu.dma_semaphore, #tpu.memory_space<semaphore_mem>>)
      } else {
      }
    }
    %while3A_78 = arith.constant 1 : i32
    scf.for %while3A_80 = %while3A_76 to %while3A_72 step %while3A_78  : i32 {
      %mul3A_81 = arith.constant 2 : i32
      %mul3A_82 = arith.muli %mul3A_81, %while3A_80 : i32
      %dma_wait3A_83 = arith.constant 0 : i32
      %dma_wait3A_84 = tpu.memref_slice %arg7[%mul3A_82, %dma_wait3A_83] : memref<64x128xi32, #tpu.memory_space<vmem>> -> memref<1x128xi32, #tpu.memory_space<vmem>>
      %dma_wait3A_85 = tpu.memref_squeeze %dma_wait3A_84 : memref<1x128xi32, #tpu.memory_space<vmem>> -> memref<128xi32, #tpu.memory_space<vmem>>
      %dma_wait3A_86 = arith.constant 0 : i32
      %dma_wait3A_87 = arith.constant 0 : i32
      %dma_wait3A_88 = tpu.memref_slice %arg2[%dma_wait3A_86, %dma_wait3A_87] : memref<190000x128xf32, #tpu.memory_space<hbm>> -> memref<190000x128xf32, #tpu.memory_space<hbm>>
      tpu.wait_indirect_dma semaphore(%arg12 : memref<!tpu.dma_semaphore, #tpu.memory_space<semaphore_mem>>) src(%dma_wait3A_88 : memref<190000x128xf32, #tpu.memory_space<hbm>>) dst(%arg8 : memref<128x128xf32, #tpu.memory_space<vmem>>)
      %mul3A_89 = arith.constant 2 : i32
      %mul3A_90 = arith.muli %mul3A_89, %while3A_80 : i32
      "tpu.region"() ({
        %run_scoped3A = tpu.sem_alloc : memref<!tpu.dma_semaphore, #tpu.memory_space<semaphore_mem>>
        %dma_start3A_162 = arith.constant 0 : i32
        %dma_start3A_163 = tpu.memref_slice %arg6[%mul3A_90, %dma_start3A_162] : memref<64x128xi32, #tpu.memory_space<vmem>> -> memref<1x128xi32, #tpu.memory_space<vmem>>
        %dma_start3A_164 = tpu.memref_squeeze %dma_start3A_163 : memref<1x128xi32, #tpu.memory_space<vmem>> -> memref<128xi32, #tpu.memory_space<vmem>>
        %dma_start3A_165 = arith.constant 0 : i32
        %dma_start3A_166 = arith.constant 0 : i32
        %dma_start3A_167 = tpu.memref_slice %arg10[%dma_start3A_165, %dma_start3A_166] : memref<10112x128xf32, #tpu.memory_space<vmem_shared>> -> memref<10112x128xf32, #tpu.memory_space<vmem_shared>>
        tpu.enqueue_indirect_dma source(%arg8 : memref<128x128xf32, #tpu.memory_space<vmem>>) target(%dma_start3A_167 : memref<10112x128xf32, #tpu.memory_space<vmem_shared>>) offsets(%dma_start3A_164 : memref<128xi32, #tpu.memory_space<vmem>>) semaphore(%run_scoped3A : memref<!tpu.dma_semaphore, #tpu.memory_space<semaphore_mem>>) {add = true}
        %dma_wait3A_168 = arith.constant 0 : i32
        %dma_wait3A_169 = tpu.memref_slice %arg6[%mul3A_90, %dma_wait3A_168] : memref<64x128xi32, #tpu.memory_space<vmem>> -> memref<1x128xi32, #tpu.memory_space<vmem>>
        %dma_wait3A_170 = tpu.memref_squeeze %dma_wait3A_169 : memref<1x128xi32, #tpu.memory_space<vmem>> -> memref<128xi32, #tpu.memory_space<vmem>>
        %dma_wait3A_171 = arith.constant 0 : i32
        %dma_wait3A_172 = arith.constant 0 : i32
        %dma_wait3A_173 = tpu.memref_slice %arg10[%dma_wait3A_171, %dma_wait3A_172] : memref<10112x128xf32, #tpu.memory_space<vmem_shared>> -> memref<10112x128xf32, #tpu.memory_space<vmem_shared>>
        tpu.wait_indirect_dma semaphore(%run_scoped3A : memref<!tpu.dma_semaphore, #tpu.memory_space<semaphore_mem>>) src(%arg8 : memref<128x128xf32, #tpu.memory_space<vmem>>) dst(%dma_wait3A_173 : memref<10112x128xf32, #tpu.memory_space<vmem_shared>>)
        tpu.yield
      }) : () -> ()
      %add3A_91 = arith.constant 1 : i32
      %add3A_92 = arith.addi %while3A_80, %add3A_91 : i32
      %jit3A_93 = arith.constant 2 : i32
      %div3A_94 = arith.divsi %select_n3A, %jit3A_93 : i32
      %sign3A_95 = arith.constant 0 : i32
      %sign3A_96 = arith.cmpi sgt, %select_n3A, %sign3A_95 : i32
      %sign3A_97 = arith.extui %sign3A_96 : i1 to i32
      %sign3A_98 = arith.constant 0 : i32
      %sign3A_99 = arith.cmpi slt, %select_n3A, %sign3A_98 : i32
      %sign3A_100 = arith.extui %sign3A_99 : i1 to i32
      %sign3A_101 = arith.subi %sign3A_97, %sign3A_100 : i32
      %sign3A_102 = arith.constant 0 : i32
      %sign3A_103 = arith.cmpi sgt, %jit3A_93, %sign3A_102 : i32
      %sign3A_104 = arith.extui %sign3A_103 : i1 to i32
      %sign3A_105 = arith.constant 0 : i32
      %sign3A_106 = arith.cmpi slt, %jit3A_93, %sign3A_105 : i32
      %sign3A_107 = arith.extui %sign3A_106 : i1 to i32
      %sign3A_108 = arith.subi %sign3A_104, %sign3A_107 : i32
      %ne3A_109 = arith.cmpi ne, %sign3A_101, %sign3A_108 : i32
      %rem3A_110 = arith.remsi %select_n3A, %jit3A_93 : i32
      %ne3A_111 = arith.constant 0 : i32
      %ne3A_112 = arith.cmpi ne, %rem3A_110, %ne3A_111 : i32
      %and3A_113 = arith.andi %ne3A_109, %ne3A_112 : i1
      %sub3A_114 = arith.constant 1 : i32
      %sub3A_115 = arith.subi %div3A_94, %sub3A_114 : i32
      %select_n3A_116 = arith.select %and3A_113, %sub3A_115, %div3A_94 : i32
      %lt3A = arith.cmpi slt, %add3A_92, %select_n3A_116 : i32
      %convert_element_type3A = arith.extui %lt3A : i1 to i32
      %cond3A = arith.constant 0 : i32
      %cond3A_117 = arith.cmpi ne, %convert_element_type3A, %cond3A : i32
      scf.if %cond3A_117 {
        %mul3A_162 = arith.constant 2 : i32
        %mul3A_163 = arith.muli %mul3A_162, %while3A_80 : i32
        %add3A_164 = arith.constant 2 : i32
        %add3A_165 = arith.addi %mul3A_163, %add3A_164 : i32
        %dma_start3A_166 = arith.constant 0 : i32
        %dma_start3A_167 = tpu.memref_slice %arg7[%add3A_165, %dma_start3A_166] : memref<64x128xi32, #tpu.memory_space<vmem>> -> memref<1x128xi32, #tpu.memory_space<vmem>>
        %dma_start3A_168 = tpu.memref_squeeze %dma_start3A_167 : memref<1x128xi32, #tpu.memory_space<vmem>> -> memref<128xi32, #tpu.memory_space<vmem>>
        %dma_start3A_169 = arith.constant 0 : i32
        %dma_start3A_170 = arith.constant 0 : i32
        %dma_start3A_171 = tpu.memref_slice %arg2[%dma_start3A_169, %dma_start3A_170] : memref<190000x128xf32, #tpu.memory_space<hbm>> -> memref<190000x128xf32, #tpu.memory_space<hbm>>
        tpu.enqueue_indirect_dma source(%dma_start3A_171 : memref<190000x128xf32, #tpu.memory_space<hbm>>) target(%arg8 : memref<128x128xf32, #tpu.memory_space<vmem>>) offsets(%dma_start3A_168 : memref<128xi32, #tpu.memory_space<vmem>>) semaphore(%arg12 : memref<!tpu.dma_semaphore, #tpu.memory_space<semaphore_mem>>)
      } else {
      }
      %mul3A_118 = arith.constant 2 : i32
      %mul3A_119 = arith.muli %mul3A_118, %while3A_80 : i32
      %add3A_120 = arith.constant 1 : i32
      %add3A_121 = arith.addi %mul3A_119, %add3A_120 : i32
      %dma_wait3A_122 = arith.constant 0 : i32
      %dma_wait3A_123 = tpu.memref_slice %arg7[%add3A_121, %dma_wait3A_122] : memref<64x128xi32, #tpu.memory_space<vmem>> -> memref<1x128xi32, #tpu.memory_space<vmem>>
      %dma_wait3A_124 = tpu.memref_squeeze %dma_wait3A_123 : memref<1x128xi32, #tpu.memory_space<vmem>> -> memref<128xi32, #tpu.memory_space<vmem>>
      %dma_wait3A_125 = arith.constant 0 : i32
      %dma_wait3A_126 = arith.constant 0 : i32
      %dma_wait3A_127 = tpu.memref_slice %arg2[%dma_wait3A_125, %dma_wait3A_126] : memref<190000x128xf32, #tpu.memory_space<hbm>> -> memref<190000x128xf32, #tpu.memory_space<hbm>>
      tpu.wait_indirect_dma semaphore(%arg13 : memref<!tpu.dma_semaphore, #tpu.memory_space<semaphore_mem>>) src(%dma_wait3A_127 : memref<190000x128xf32, #tpu.memory_space<hbm>>) dst(%arg9 : memref<128x128xf32, #tpu.memory_space<vmem>>)
      %mul3A_128 = arith.constant 2 : i32
      %mul3A_129 = arith.muli %mul3A_128, %while3A_80 : i32
      %add3A_130 = arith.constant 1 : i32
      %add3A_131 = arith.addi %mul3A_129, %add3A_130 : i32
      "tpu.region"() ({
        %run_scoped3A = tpu.sem_alloc : memref<!tpu.dma_semaphore, #tpu.memory_space<semaphore_mem>>
        %dma_start3A_162 = arith.constant 0 : i32
        %dma_start3A_163 = tpu.memref_slice %arg6[%add3A_131, %dma_start3A_162] : memref<64x128xi32, #tpu.memory_space<vmem>> -> memref<1x128xi32, #tpu.memory_space<vmem>>
        %dma_start3A_164 = tpu.memref_squeeze %dma_start3A_163 : memref<1x128xi32, #tpu.memory_space<vmem>> -> memref<128xi32, #tpu.memory_space<vmem>>
        %dma_start3A_165 = arith.constant 0 : i32
        %dma_start3A_166 = arith.constant 0 : i32
        %dma_start3A_167 = tpu.memref_slice %arg10[%dma_start3A_165, %dma_start3A_166] : memref<10112x128xf32, #tpu.memory_space<vmem_shared>> -> memref<10112x128xf32, #tpu.memory_space<vmem_shared>>
        tpu.enqueue_indirect_dma source(%arg9 : memref<128x128xf32, #tpu.memory_space<vmem>>) target(%dma_start3A_167 : memref<10112x128xf32, #tpu.memory_space<vmem_shared>>) offsets(%dma_start3A_164 : memref<128xi32, #tpu.memory_space<vmem>>) semaphore(%run_scoped3A : memref<!tpu.dma_semaphore, #tpu.memory_space<semaphore_mem>>) {add = true}
        %dma_wait3A_168 = arith.constant 0 : i32
        %dma_wait3A_169 = tpu.memref_slice %arg6[%add3A_131, %dma_wait3A_168] : memref<64x128xi32, #tpu.memory_space<vmem>> -> memref<1x128xi32, #tpu.memory_space<vmem>>
        %dma_wait3A_170 = tpu.memref_squeeze %dma_wait3A_169 : memref<1x128xi32, #tpu.memory_space<vmem>> -> memref<128xi32, #tpu.memory_space<vmem>>
        %dma_wait3A_171 = arith.constant 0 : i32
        %dma_wait3A_172 = arith.constant 0 : i32
        %dma_wait3A_173 = tpu.memref_slice %arg10[%dma_wait3A_171, %dma_wait3A_172] : memref<10112x128xf32, #tpu.memory_space<vmem_shared>> -> memref<10112x128xf32, #tpu.memory_space<vmem_shared>>
        tpu.wait_indirect_dma semaphore(%run_scoped3A : memref<!tpu.dma_semaphore, #tpu.memory_space<semaphore_mem>>) src(%arg9 : memref<128x128xf32, #tpu.memory_space<vmem>>) dst(%dma_wait3A_173 : memref<10112x128xf32, #tpu.memory_space<vmem_shared>>)
        tpu.yield
      }) : () -> ()
      %add3A_132 = arith.constant 1 : i32
      %add3A_133 = arith.addi %while3A_80, %add3A_132 : i32
      %jit3A_134 = arith.constant 2 : i32
      %div3A_135 = arith.divsi %select_n3A, %jit3A_134 : i32
      %sign3A_136 = arith.constant 0 : i32
      %sign3A_137 = arith.cmpi sgt, %select_n3A, %sign3A_136 : i32
      %sign3A_138 = arith.extui %sign3A_137 : i1 to i32
      %sign3A_139 = arith.constant 0 : i32
      %sign3A_140 = arith.cmpi slt, %select_n3A, %sign3A_139 : i32
      %sign3A_141 = arith.extui %sign3A_140 : i1 to i32
      %sign3A_142 = arith.subi %sign3A_138, %sign3A_141 : i32
      %sign3A_143 = arith.constant 0 : i32
      %sign3A_144 = arith.cmpi sgt, %jit3A_134, %sign3A_143 : i32
      %sign3A_145 = arith.extui %sign3A_144 : i1 to i32
      %sign3A_146 = arith.constant 0 : i32
      %sign3A_147 = arith.cmpi slt, %jit3A_134, %sign3A_146 : i32
      %sign3A_148 = arith.extui %sign3A_147 : i1 to i32
      %sign3A_149 = arith.subi %sign3A_145, %sign3A_148 : i32
      %ne3A_150 = arith.cmpi ne, %sign3A_142, %sign3A_149 : i32
      %rem3A_151 = arith.remsi %select_n3A, %jit3A_134 : i32
      %ne3A_152 = arith.constant 0 : i32
      %ne3A_153 = arith.cmpi ne, %rem3A_151, %ne3A_152 : i32
      %and3A_154 = arith.andi %ne3A_150, %ne3A_153 : i1
      %sub3A_155 = arith.constant 1 : i32
      %sub3A_156 = arith.subi %div3A_135, %sub3A_155 : i32
      %select_n3A_157 = arith.select %and3A_154, %sub3A_156, %div3A_135 : i32
      %lt3A_158 = arith.cmpi slt, %add3A_133, %select_n3A_157 : i32
      %convert_element_type3A_159 = arith.extui %lt3A_158 : i1 to i32
      %cond3A_160 = arith.constant 0 : i32
      %cond3A_161 = arith.cmpi ne, %convert_element_type3A_159, %cond3A_160 : i32
      scf.if %cond3A_161 {
        %mul3A_162 = arith.constant 2 : i32
        %mul3A_163 = arith.muli %mul3A_162, %while3A_80 : i32
        %add3A_164 = arith.constant 3 : i32
        %add3A_165 = arith.addi %mul3A_163, %add3A_164 : i32
        %dma_start3A_166 = arith.constant 0 : i32
        %dma_start3A_167 = tpu.memref_slice %arg7[%add3A_165, %dma_start3A_166] : memref<64x128xi32, #tpu.memory_space<vmem>> -> memref<1x128xi32, #tpu.memory_space<vmem>>
        %dma_start3A_168 = tpu.memref_squeeze %dma_start3A_167 : memref<1x128xi32, #tpu.memory_space<vmem>> -> memref<128xi32, #tpu.memory_space<vmem>>
        %dma_start3A_169 = arith.constant 0 : i32
        %dma_start3A_170 = arith.constant 0 : i32
        %dma_start3A_171 = tpu.memref_slice %arg2[%dma_start3A_169, %dma_start3A_170] : memref<190000x128xf32, #tpu.memory_space<hbm>> -> memref<190000x128xf32, #tpu.memory_space<hbm>>
        tpu.enqueue_indirect_dma source(%dma_start3A_171 : memref<190000x128xf32, #tpu.memory_space<hbm>>) target(%arg9 : memref<128x128xf32, #tpu.memory_space<vmem>>) offsets(%dma_start3A_168 : memref<128xi32, #tpu.memory_space<vmem>>) semaphore(%arg13 : memref<!tpu.dma_semaphore, #tpu.memory_space<semaphore_mem>>)
      } else {
      }
    }
    %barrier3A_79 = arith.constant 0 : index
    tpu.barrier barrier_id(%barrier3A_79)
    "tpu.region"() ({
      %run_scoped3A = tpu.sem_alloc : memref<!tpu.dma_semaphore, #tpu.memory_space<semaphore_mem>>
      %dma_start3A_80 = arith.constant 0 : i32
      %dma_start3A_81 = tpu.memref_slice %arg5[%arg0, %mul3A_0, %dma_start3A_80] : memref<2x10112x128xf32, #tpu.memory_space<hbm>> -> memref<1x632x128xf32, #tpu.memory_space<hbm>>
      %dma_start3A_82 = tpu.memref_squeeze %dma_start3A_81 : memref<1x632x128xf32, #tpu.memory_space<hbm>> -> memref<632x128xf32, #tpu.memory_space<hbm>>
      %dma_start3A_83 = arith.constant 0 : i32
      %dma_start3A_84 = tpu.memref_slice %arg10[%mul3A_0, %dma_start3A_83] : memref<10112x128xf32, #tpu.memory_space<vmem_shared>> -> memref<632x128xf32, #tpu.memory_space<vmem_shared>>
      tpu.enqueue_dma source(%dma_start3A_84 : memref<632x128xf32, #tpu.memory_space<vmem_shared>>) target(%dma_start3A_82 : memref<632x128xf32, #tpu.memory_space<hbm>>) target_semaphore(%run_scoped3A : memref<!tpu.dma_semaphore, #tpu.memory_space<semaphore_mem>>)
      %dma_wait3A_85 = arith.constant 0 : i32
      %dma_wait3A_86 = tpu.memref_slice %arg5[%arg0, %mul3A_0, %dma_wait3A_85] : memref<2x10112x128xf32, #tpu.memory_space<hbm>> -> memref<1x632x128xf32, #tpu.memory_space<hbm>>
      %dma_wait3A_87 = tpu.memref_squeeze %dma_wait3A_86 : memref<1x632x128xf32, #tpu.memory_space<hbm>> -> memref<632x128xf32, #tpu.memory_space<hbm>>
      %dma_wait3A_88 = arith.constant 0 : i32
      %dma_wait3A_89 = tpu.memref_slice %arg10[%mul3A_0, %dma_wait3A_88] : memref<10112x128xf32, #tpu.memory_space<vmem_shared>> -> memref<632x128xf32, #tpu.memory_space<vmem_shared>>
      tpu.wait_dma2 semaphore(%run_scoped3A : memref<!tpu.dma_semaphore, #tpu.memory_space<semaphore_mem>>) src(%dma_wait3A_89 : memref<632x128xf32, #tpu.memory_space<vmem_shared>>) dst(%dma_wait3A_87 : memref<632x128xf32, #tpu.memory_space<hbm>>)
      tpu.yield
    }) : () -> ()
    return
  }
}

module attributes {stable_mosaic.version = 14 : i64} {
  func.func @tr_body(%arg0: i32, %arg1: i32, %arg2: memref<1000x128xf32, #tpu.memory_space<vmem>>, %arg3: memref<1x128x128xf32, #tpu.memory_space<vmem>>, %arg4: memref<1x1000x128xf32, #tpu.memory_space<vmem>>) attributes {dimension_semantics = [#tpu.dimension_semantics<arbitrary>, #tpu.dimension_semantics<arbitrary>], iteration_bounds = array<i64: 10, 19>, scalar_prefetch = 0 : i64, scratch_operands = 0 : i64, tpu.core_type = #tpu.core_type<tc>, window_params = [{transform_indices = @transform_0, window_bounds = array<i64: 1000, 128>}, {transform_indices = @transform_1, window_bounds = array<i64: 1, 128, 128>}, {transform_indices = @transform_2, window_bounds = array<i64: 1, 1000, 128>}]} {
    %get3A = arith.constant 0 : index
    %get3A_0 = arith.constant 0 : index
    %get3A_1 = vector.load %arg2[%get3A, %get3A_0] : memref<1000x128xf32, #tpu.memory_space<vmem>>, vector<1000x128xf32>
    %get3A_2 = arith.constant 0 : index
    %get3A_3 = arith.constant 0 : index
    %get3A_4 = arith.constant 0 : index
    %get3A_5 = vector.load %arg3[%get3A_2, %get3A_3, %get3A_4] : memref<1x128x128xf32, #tpu.memory_space<vmem>>, vector<1x128x128xf32>
    %get3A_6 = vector.shape_cast %get3A_5 : vector<1x128x128xf32> to vector<128x128xf32>
    %dot_general3A = arith.constant dense<0.000000e+00> : vector<1000x128xf32>
    %dot_general3A_7 = tpu.matmul %get3A_1, %get3A_6, %dot_general3A {dimension_numbers = #tpu.dot_dimension_numbers<[1], [0], [0], [1], [0, 0, 1, 1], [], []>, transpose_lhs_hint = false} : vector<1000x128xf32>, vector<128x128xf32>, vector<1000x128xf32> -> vector<1000x128xf32>
    %swap3A = arith.constant 0 : index
    %swap3A_8 = arith.constant 0 : index
    %swap3A_9 = arith.constant 0 : index
    %swap3A_10 = vector.load %arg4[%swap3A, %swap3A_8, %swap3A_9] : memref<1x1000x128xf32, #tpu.memory_space<vmem>>, vector<1x1000x128xf32>
    %swap3A_11 = vector.shape_cast %swap3A_10 : vector<1x1000x128xf32> to vector<1000x128xf32>
    %swap3A_12 = vector.shape_cast %dot_general3A_7 : vector<1000x128xf32> to vector<1x1000x128xf32>
    tpu.vector_store %arg4[%swap3A, %swap3A_8, %swap3A_9], %swap3A_12 {strides = array<i32>} : memref<1x1000x128xf32, #tpu.memory_space<vmem>>, vector<1x1000x128xf32>,
    return
  }
  func.func @transform_0(%arg0: i32, %arg1: i32) -> (i32, i32) {
    %c0_i32 = arith.constant 0 : i32
    %c0_i32_0 = arith.constant 0 : i32
    return %arg0, %c0_i32 : i32, i32
  }
  func.func @transform_1(%arg0: i32, %arg1: i32) -> (i32, i32, i32) {
    %c0_i32 = arith.constant 0 : i32
    %c0_i32_0 = arith.constant 0 : i32
    %c0_i32_1 = arith.constant 0 : i32
    return %arg1, %c0_i32, %c0_i32_0 : i32, i32, i32
  }
  func.func @transform_2(%arg0: i32, %arg1: i32) -> (i32, i32, i32) {
    %c0_i32 = arith.constant 0 : i32
    %c0_i32_0 = arith.constant 0 : i32
    return %arg1, %arg0, %c0_i32 : i32, i32, i32
  }
}

module attributes {stable_mosaic.version = 14 : i64} {
  func.func @fin_body(%arg0: i32, %arg1: memref<1x1000x128xf32, #tpu.memory_space<vmem>>, %arg2: memref<1x1000x128xf32, #tpu.memory_space<vmem>>, %arg3: memref<1000x128xf32, #tpu.memory_space<vmem>>, %arg4: memref<128x128xf32, #tpu.memory_space<vmem>>, %arg5: memref<1x128xf32, #tpu.memory_space<vmem>>, %arg6: memref<1000x128xf32, #tpu.memory_space<vmem>>) attributes {dimension_semantics = [#tpu.dimension_semantics<arbitrary>], iteration_bounds = array<i64: 10>, scalar_prefetch = 0 : i64, scratch_operands = 0 : i64, tpu.core_type = #tpu.core_type<tc>, window_params = [{transform_indices = @transform_0, window_bounds = array<i64: 1, 1000, 128>}, {transform_indices = @transform_1, window_bounds = array<i64: 1, 1000, 128>}, {transform_indices = @transform_2, window_bounds = array<i64: 1000, 128>}, {pipeline_mode = #tpu.pipeline_mode<synchronous>, transform_indices = @transform_3, window_bounds = array<i64: 128, 128>}, {pipeline_mode = #tpu.pipeline_mode<synchronous>, transform_indices = @transform_4, window_bounds = array<i64: 1, 128>}, {transform_indices = @transform_5, window_bounds = array<i64: 1000, 128>}]} {
    %get3A = arith.constant 0 : index
    %get3A_0 = arith.constant 0 : index
    %get3A_1 = arith.constant 0 : index
    %get3A_2 = vector.load %arg1[%get3A, %get3A_0, %get3A_1] : memref<1x1000x128xf32, #tpu.memory_space<vmem>>, vector<1x1000x128xf32>
    %get3A_3 = vector.shape_cast %get3A_2 : vector<1x1000x128xf32> to vector<1000x128xf32>
    %get3A_4 = arith.constant 0 : index
    %get3A_5 = arith.constant 0 : index
    %get3A_6 = arith.constant 0 : index
    %get3A_7 = vector.load %arg2[%get3A_4, %get3A_5, %get3A_6] : memref<1x1000x128xf32, #tpu.memory_space<vmem>>, vector<1x1000x128xf32>
    %get3A_8 = vector.shape_cast %get3A_7 : vector<1x1000x128xf32> to vector<1000x128xf32>
    %add3A = arith.addf %get3A_3, %get3A_8 : vector<1000x128xf32>
    %get3A_9 = arith.constant 0 : index
    %get3A_10 = arith.constant 0 : index
    %get3A_11 = vector.load %arg3[%get3A_9, %get3A_10] : memref<1000x128xf32, #tpu.memory_space<vmem>>, vector<1000x128xf32>
    %get3A_12 = arith.constant 0 : index
    %get3A_13 = arith.constant 0 : index
    %get3A_14 = vector.load %arg4[%get3A_12, %get3A_13] : memref<128x128xf32, #tpu.memory_space<vmem>>, vector<128x128xf32>
    %dot_general3A = arith.constant dense<0.000000e+00> : vector<1000x128xf32>
    %dot_general3A_15 = tpu.matmul %get3A_11, %get3A_14, %dot_general3A {dimension_numbers = #tpu.dot_dimension_numbers<[1], [0], [0], [1], [0, 0, 1, 1], [], []>, transpose_lhs_hint = false} : vector<1000x128xf32>, vector<128x128xf32>, vector<1000x128xf32> -> vector<1000x128xf32>
    %add3A_16 = arith.addf %add3A, %dot_general3A_15 : vector<1000x128xf32>
    %get3A_17 = arith.constant 0 : index
    %get3A_18 = arith.constant 0 : index
    %get3A_19 = vector.load %arg5[%get3A_17, %get3A_18] : memref<1x128xf32, #tpu.memory_space<vmem>>, vector<1x128xf32>
    %add3A_20 = vector.broadcast %get3A_19 : vector<1x128xf32> to vector<1000x128xf32>
    %add3A_21 = arith.addf %add3A_16, %add3A_20 : vector<1000x128xf32>
    %max3A = arith.constant 0.000000e+00 : f32
    %max3A_22 = vector.broadcast %max3A : f32 to vector<1000x128xf32>
    %max3A_23 = arith.maximumf %add3A_21, %max3A_22 : vector<1000x128xf32>
    %swap3A = arith.constant 0 : index
    %swap3A_24 = arith.constant 0 : index
    %swap3A_25 = vector.load %arg6[%swap3A, %swap3A_24] : memref<1000x128xf32, #tpu.memory_space<vmem>>, vector<1000x128xf32>
    tpu.vector_store %arg6[%swap3A, %swap3A_24], %max3A_23 {strides = array<i32>} : memref<1000x128xf32, #tpu.memory_space<vmem>>, vector<1000x128xf32>,
    return
  }
  func.func @transform_0(%arg0: i32) -> (i32, i32, i32) {
    %c0_i32 = arith.constant 0 : i32
    %c0_i32_0 = arith.constant 0 : i32
    %c0_i32_1 = arith.constant 0 : i32
    return %c0_i32, %arg0, %c0_i32_0 : i32, i32, i32
  }
  func.func @transform_1(%arg0: i32) -> (i32, i32, i32) {
    %c1_i32 = arith.constant 1 : i32
    %c0_i32 = arith.constant 0 : i32
    %c0_i32_0 = arith.constant 0 : i32
    return %c1_i32, %arg0, %c0_i32 : i32, i32, i32
  }
  func.func @transform_2(%arg0: i32) -> (i32, i32) {
    %c0_i32 = arith.constant 0 : i32
    %c0_i32_0 = arith.constant 0 : i32
    return %arg0, %c0_i32 : i32, i32
  }
  func.func @transform_3(%arg0: i32) -> (i32, i32) {
    %c0_i32 = arith.constant 0 : i32
    %c0_i32_0 = arith.constant 0 : i32
    %c0_i32_1 = arith.constant 0 : i32
    return %c0_i32, %c0_i32_0 : i32, i32
  }
  func.func @transform_4(%arg0: i32) -> (i32, i32) {
    %c0_i32 = arith.constant 0 : i32
    %c0_i32_0 = arith.constant 0 : i32
    %c0_i32_1 = arith.constant 0 : i32
    return %c0_i32, %c0_i32_0 : i32, i32
  }
  func.func @transform_5(%arg0: i32) -> (i32, i32) {
    %c0_i32 = arith.constant 0 : i32
    %c0_i32_0 = arith.constant 0 : i32
    return %arg0, %c0_i32 : i32, i32
  }
}

module attributes {stable_mosaic.version = 14 : i64} {
  func.func @fin_body(%arg0: i32, %arg1: memref<1x1000x128xf32, #tpu.memory_space<vmem>>, %arg2: memref<1x1000x128xf32, #tpu.memory_space<vmem>>, %arg3: memref<1000x128xf32, #tpu.memory_space<vmem>>, %arg4: memref<128x128xf32, #tpu.memory_space<vmem>>, %arg5: memref<1x128xf32, #tpu.memory_space<vmem>>, %arg6: memref<1000x128xf32, #tpu.memory_space<vmem>>) attributes {dimension_semantics = [#tpu.dimension_semantics<arbitrary>], iteration_bounds = array<i64: 10>, scalar_prefetch = 0 : i64, scratch_operands = 0 : i64, tpu.core_type = #tpu.core_type<tc>, window_params = [{transform_indices = @transform_0, window_bounds = array<i64: 1, 1000, 128>}, {transform_indices = @transform_1, window_bounds = array<i64: 1, 1000, 128>}, {transform_indices = @transform_2, window_bounds = array<i64: 1000, 128>}, {pipeline_mode = #tpu.pipeline_mode<synchronous>, transform_indices = @transform_3, window_bounds = array<i64: 128, 128>}, {pipeline_mode = #tpu.pipeline_mode<synchronous>, transform_indices = @transform_4, window_bounds = array<i64: 1, 128>}, {transform_indices = @transform_5, window_bounds = array<i64: 1000, 128>}]} {
    %get3A = arith.constant 0 : index
    %get3A_0 = arith.constant 0 : index
    %get3A_1 = arith.constant 0 : index
    %get3A_2 = vector.load %arg1[%get3A, %get3A_0, %get3A_1] : memref<1x1000x128xf32, #tpu.memory_space<vmem>>, vector<1x1000x128xf32>
    %get3A_3 = vector.shape_cast %get3A_2 : vector<1x1000x128xf32> to vector<1000x128xf32>
    %get3A_4 = arith.constant 0 : index
    %get3A_5 = arith.constant 0 : index
    %get3A_6 = arith.constant 0 : index
    %get3A_7 = vector.load %arg2[%get3A_4, %get3A_5, %get3A_6] : memref<1x1000x128xf32, #tpu.memory_space<vmem>>, vector<1x1000x128xf32>
    %get3A_8 = vector.shape_cast %get3A_7 : vector<1x1000x128xf32> to vector<1000x128xf32>
    %add3A = arith.addf %get3A_3, %get3A_8 : vector<1000x128xf32>
    %get3A_9 = arith.constant 0 : index
    %get3A_10 = arith.constant 0 : index
    %get3A_11 = vector.load %arg3[%get3A_9, %get3A_10] : memref<1000x128xf32, #tpu.memory_space<vmem>>, vector<1000x128xf32>
    %get3A_12 = arith.constant 0 : index
    %get3A_13 = arith.constant 0 : index
    %get3A_14 = vector.load %arg4[%get3A_12, %get3A_13] : memref<128x128xf32, #tpu.memory_space<vmem>>, vector<128x128xf32>
    %dot_general3A = arith.constant dense<0.000000e+00> : vector<1000x128xf32>
    %dot_general3A_15 = tpu.matmul %get3A_11, %get3A_14, %dot_general3A {dimension_numbers = #tpu.dot_dimension_numbers<[1], [0], [0], [1], [0, 0, 1, 1], [], []>, transpose_lhs_hint = false} : vector<1000x128xf32>, vector<128x128xf32>, vector<1000x128xf32> -> vector<1000x128xf32>
    %add3A_16 = arith.addf %add3A, %dot_general3A_15 : vector<1000x128xf32>
    %get3A_17 = arith.constant 0 : index
    %get3A_18 = arith.constant 0 : index
    %get3A_19 = vector.load %arg5[%get3A_17, %get3A_18] : memref<1x128xf32, #tpu.memory_space<vmem>>, vector<1x128xf32>
    %add3A_20 = vector.broadcast %get3A_19 : vector<1x128xf32> to vector<1000x128xf32>
    %add3A_21 = arith.addf %add3A_16, %add3A_20 : vector<1000x128xf32>
    %swap3A = arith.constant 0 : index
    %swap3A_22 = arith.constant 0 : index
    %swap3A_23 = vector.load %arg6[%swap3A, %swap3A_22] : memref<1000x128xf32, #tpu.memory_space<vmem>>, vector<1000x128xf32>
    tpu.vector_store %arg6[%swap3A, %swap3A_22], %add3A_21 {strides = array<i32>} : memref<1000x128xf32, #tpu.memory_space<vmem>>, vector<1000x128xf32>,
    return
  }
  func.func @transform_0(%arg0: i32) -> (i32, i32, i32) {
    %c0_i32 = arith.constant 0 : i32
    %c0_i32_0 = arith.constant 0 : i32
    %c0_i32_1 = arith.constant 0 : i32
    return %c0_i32, %arg0, %c0_i32_0 : i32, i32, i32
  }
  func.func @transform_1(%arg0: i32) -> (i32, i32, i32) {
    %c1_i32 = arith.constant 1 : i32
    %c0_i32 = arith.constant 0 : i32
    %c0_i32_0 = arith.constant 0 : i32
    return %c1_i32, %arg0, %c0_i32 : i32, i32, i32
  }
  func.func @transform_2(%arg0: i32) -> (i32, i32) {
    %c0_i32 = arith.constant 0 : i32
    %c0_i32_0 = arith.constant 0 : i32
    return %arg0, %c0_i32 : i32, i32
  }
  func.func @transform_3(%arg0: i32) -> (i32, i32) {
    %c0_i32 = arith.constant 0 : i32
    %c0_i32_0 = arith.constant 0 : i32
    %c0_i32_1 = arith.constant 0 : i32
    return %c0_i32, %c0_i32_0 : i32, i32
  }
  func.func @transform_4(%arg0: i32) -> (i32, i32) {
    %c0_i32 = arith.constant 0 : i32
    %c0_i32_0 = arith.constant 0 : i32
    %c0_i32_1 = arith.constant 0 : i32
    return %c0_i32, %c0_i32_0 : i32, i32
  }
  func.func @transform_5(%arg0: i32) -> (i32, i32) {
    %c0_i32 = arith.constant 0 : i32
    %c0_i32_0 = arith.constant 0 : i32
    return %arg0, %c0_i32 : i32, i32
  }
}

</mosaic_0001>

<sc_bundles>
// kernel: kernel.11.cloned.1.call-start
scs
__scs_entry_jumppad:
0x0: {  	(pc) =	sbr.rel $0x88, $3  }
0x1: {  	(tag) =	ssettag $0x0;
	lr =	simm.s32 $0x1  }
0x2: {  	[smem:$0x3F98] =	sst lr;
	_ =	strace $0xD0000000  }
0x3: {  	_ = 	snop  }
0x4: {  	_ = 	snop  }
0x5: {  	_ = 	snop  }
0x6: {  	_ = 	snop  }
0x7: {  	_ = 	snop  }
__scs_overlays_trampoline_lowered:
0x8: {  	[smem:$0x3FA7] =	sst s0  }
0x9: {  	[smem:$0x3FA8] =	sst s1  }
0xa: {  	[smem:$0x3FA9] =	sst s2  }
0xb: {  	[smem:$0x3FAA] =	sst s3  }
0xc: {  	[smem:$0x3FAB] =	sst s4  }
0xd: {  	[smem:$0x3FAC] =	sst s5  }
0xe: {  	[smem:$0x3FAD] =	sst s6  }
0xf: {  	[smem:$0x3FAE] =	sst s7  }
0x10: {  	[smem:$0x3FAF] =	sst s8  }
0x11: {  	[smem:$0x3FB0] =	sst s9;
	s0 =	simm.s32 @!p0 $0x0  }
0x12: {  	s1 =	sld [smem:$0x3F96];
	s0 =	simm.s32 @p0 $0x1  }
0x13: {  	[smem:$0x3FB1] =	sst s0;
	s0 =	simm.s32 @!p1 $0x0  }
0x14: {  	s2 =	sld [smem:$0x3F95];
	s0 =	simm.s32 @p1 $0x1  }
0x15: {  	[smem:$0x3FB2] =	sst s0;
	s0 =	simm.s32 @!p2 $0x0  }
0x16: {  	s3 =	sld [smem:$0x3FDB];
	s0 =	simm.s32 @p2 $0x1  }
0x17: {  	s4 =	simm.s32 $0x1BF5;
	[smem:$0x3FB4] =	sst s0  }
0x18: {  	s0 =	sld [smem:$0x3F97];
	_ =	swait.ge [sflag:s4], $0x0  }
0x19: {  	s7 =	sld [smem:$0x3F98]  }
0x1a: {  	s8 =	sadd.s32 $0xFFFFE003, lr  }
0x1b: {  	s9 =	sadd.s32 $0xFFFFFEF7, lr;
	s5 =	simm.s32 $0xFFFFFFFF;
	p2 =	slt.u32 s8, $0xFFFFF086  }
0x1c: {  	p1 =	slt.u32 s9, $0xF7A;
	s5 =	simm.s32 @!p2 $0x0  }
0x1d: {  	s5 =	simm.s32 @p1 $0x1;
	p0 =	seq.s32 s7, s2  }
0x1e: {  	s7 =	smul.u32 @!p0 $0xF7A, s2;
	p2 =	seq.s32 @!p0 s5, $0x0  }
0x1f: {  	s9 =	smul.u32 $0xF7A, s1;
	s8 =	simm.s32 @!p0 $0x1BF5;
	p2 =	por !p2, p0  }
0x20: {  	[sflag:s8] =	ssyncset.s32 @!p0 $0xFFFFF086;
	s6 =	sadd.s32 @!p0 s3, s7;
	s7 =	simm.s32 @!p0 $0x108  }
0x21: {  	s3 =	sadd.s32 s3, s9;
	s6 =	sadd.s32 @!p0 $0x88, s6;
	s7 =	simm.s32 @p2 $0x1082  }
0x22: {  	[simem:s7], [sflag:s8] =	dma.local @!p0 [hbm:s6], $0xF7A  }
0x23: {  	s9 =	sor.u32 $0xD0000000, s2;
	s6 =	simm.s32 $0x108;
	_ =	swait.ge @!p0 [sflag:s8], $0x0  }
0x24: {  	s3 =	sadd.s32 $0x88, s3;
	s6 =	simm.s32 @!p1 $0x1082;
	[sflag:s4] =	ssyncset.s32 $0xFFFFF086  }
0x25: {  	[simem:s6], [sflag:s4] =	dma.local [hbm:s3], $0xF7A  }
0x26: {  	[smem:$0x3F98] =	sst s1;
	(tag) =	ssettag s2;
	_ =	strace s9  }
0x27: {  	s1 =	sld [smem:$0x3FA8]  }
0x28: {  	s2 =	sld [smem:$0x3FA9]  }
0x29: {  	s4 =	sld [smem:$0x3FAB]  }
0x2a: {  	p0 =	seq.s32 s5, $0x0;
	s5 =	sld [smem:$0x3FAC]  }
0x2b: {  	s6 =	sld [smem:$0x3FAD]  }
0x2c: {  	s7 =	sld [smem:$0x3FAE]  }
0x2d: {  	s3 =	simm.s32 $0x108;
	s8 =	sld [smem:$0x3FAF]  }
0x2e: {  	s3 =	simm.s32 @!p0 $0x1082;
	s9 =	sld [smem:$0x3FB0]  }
0x2f: {  	lr =	sadd.s32 s0, s3;
	s0 =	sld [smem:$0x3FA7]  }
0x30: {  	s3 =	sld [smem:$0x3FAA]  }
0x31: {  	[smem:$0x3FB3] =	sst s10  }
0x32: {  	s10 =	sld [smem:$0x3FB1];
	_ =	sdelay $0x3  }
0x33: {  	p0 =	seq.s32 s10, $0x1;
	s10 =	sld [smem:$0x3FB3];
	_ =	sdelay $0x3  }
0x34: {  	[smem:$0x3FB3] =	sst s10  }
0x35: {  	s10 =	sld [smem:$0x3FB2];
	_ =	sdelay $0x3  }
0x36: {  	p1 =	seq.s32 s10, $0x1;
	s10 =	sld [smem:$0x3FB3];
	_ =	sdelay $0x3  }
0x37: {  	[smem:$0x3FB3] =	sst s10  }
0x38: {  	s10 =	sld [smem:$0x3FB4]  }
0x39: {  	_ = 	snop;
	(pc) =	sbr.ind lr, $3  }
0x3a: {  	_ = 	snop  }
0x3b: {  	_ = 	snop  }
0x3c: {  	p2 =	seq.s32 s10, $0x1;
	s10 =	sld [smem:$0x3FB3]  }
0x3d: {  	_ =	shalt  }
0x3e: {  	_ =	shalt  }
0x3f: {  	_ =	shalt  }
0x40: {  	_ =	shalt  }
0x41: {  	_ =	shalt  }
0x42: {  	_ =	shalt  }
0x43: {  	_ =	shalt  }
0x44: {  	_ =	shalt  }
0x45: {  	_ =	shalt  }
0x46: {  	_ =	shalt  }
0x47: {  	_ =	shalt  }
0x48: {  	_ =	shalt  }
0x49: {  	_ =	shalt  }
0x4a: {  	_ =	shalt  }
0x4b: {  	_ =	shalt  }
0x4c: {  	_ =	shalt  }
0x4d: {  	_ =	shalt  }
0x4e: {  	_ =	shalt  }
0x4f: {  	_ =	shalt  }
0x50: {  	_ =	shalt  }
0x51: {  	_ =	shalt  }
0x52: {  	_ =	shalt  }
0x53: {  	_ =	shalt  }
0x54: {  	_ =	shalt  }
0x55: {  	_ =	shalt  }
0x56: {  	_ =	shalt  }
0x57: {  	_ =	shalt  }
0x58: {  	_ =	shalt  }
0x59: {  	_ =	shalt  }
0x5a: {  	_ =	shalt  }
0x5b: {  	_ =	shalt  }
0x5c: {  	_ =	shalt  }
0x5d: {  	_ =	shalt  }
0x5e: {  	_ =	shalt  }
0x5f: {  	_ =	shalt  }
0x60: {  	_ =	shalt  }
0x61: {  	_ =	shalt  }
0x62: {  	_ =	shalt  }
0x63: {  	_ =	shalt  }
0x64: {  	_ =	shalt  }
0x65: {  	_ =	shalt  }
0x66: {  	_ =	shalt  }
0x67: {  	_ =	shalt  }
0x68: {  	_ =	shalt  }
0x69: {  	_ =	shalt  }
0x6a: {  	_ =	shalt  }
0x6b: {  	_ =	shalt  }
0x6c: {  	_ =	shalt  }
0x6d: {  	_ =	shalt  }
0x6e: {  	_ =	shalt  }
0x6f: {  	_ =	shalt  }
0x70: {  	_ =	shalt  }
0x71: {  	_ =	shalt  }
0x72: {  	_ =	shalt  }
0x73: {  	_ =	shalt  }
0x74: {  	_ =	shalt  }
0x75: {  	_ =	shalt  }
0x76: {  	_ =	shalt  }
0x77: {  	_ =	shalt  }
0x78: {  	_ =	shalt  }
0x79: {  	_ =	shalt  }
0x7a: {  	_ =	shalt  }
0x7b: {  	_ =	shalt  }
0x7c: {  	_ =	shalt  }
0x7d: {  	_ =	shalt  }
0x7e: {  	_ =	shalt  }
0x7f: {  	_ =	shalt  }
0x80: {  	_ =	shalt  }
0x81: {  	_ =	shalt  }
0x82: {  	_ =	shalt  }
0x83: {  	_ =	shalt  }
0x84: {  	_ =	shalt  }
0x85: {  	_ =	shalt  }
0x86: {  	_ =	shalt  }
0x87: {  	_ =	shalt  }
.Lfunc_end0:
.L_simem_size_0:
called_computation.1_lowered:
.L_overlay_start_0:
0x88: {  	s2 =	sld [smem:$0x3FD9]  }
0x89: {  	s3 =	sld [smem:$0x3FFE];
	_ =	sdelay $0x1  }
0x8a: {  	s1 =	srdreg.scid  }
0x8b: {  	s0 =	sand.u32 $0x1, s1  }
0x8c: {  	s17 =	sshll.u32 s0, $0xA;
	s2 =	sadd.s32 s3, s2  }
0x8d: {  	s2 =	sadd.s32 s2, s17  }
0x8e: {  	[smem:$0x3FBF] =	sst s2  }
0x8f: {  	_ = 	snop  }
0x90: {  	s2 =	sld [smem:$0x3FD0];
	(tm) =	ssettm $0x1  }
0x91: {  	s18 =	sld [smem:$0x3FFB];
	_ =	sdelay $0x3  }
0x92: {  	_ =	strace s18  }
0x93: {  	s3 =	sld [smem:$0x3FFC];
	_ =	sdelay $0x3  }
0x94: {  	_ =	strace s3  }
0x95: {  	s3 =	sld [smem:$0x3FFD];
	_ =	sdelay $0x3  }
0x96: {  	_ =	strace s3  }
0x97: {  	_ =	strace $0x8FFFFFFF  }
0x98: {  	s19 =	sld [smem:$0x3FDB];
	_ =	sdelay $0x1  }
0x99: {  	s4 =	simm.s32 $_scs_section_size  }
0x9a: {  	s5 =	simm.s32 $_size__tile_overlayer_lowered;
	s6 =	simm.s32 $_tile_overlayer_lowered  }
0x9b: {  	s22 =	simm.s32 $0x1BFF;
	s21 =	sshll.u32 s6, $0x1;
	s3 =	sadd.s32 s4, s19  }
0x9c: {  	s7 =	simm.s32 $0x0;
	s20 =	sshll.u32 s5, $0x1;
	s5 =	sadd.s32 s21, s3  }
0x9d: {  	[timem:s7], [sflag:s22] =	dma.local [hbm:s5], s20  }
0x9e: {  	_ =	swait.ge [sflag:s22], s20  }
0x9f: {  	s4 =	ssub.s32 $0x0, s20;
	[sflag:s22] =	ssyncset.done $0x0  }
0xa0: {  	[sflag:s22] =	ssyncadd.s32 s4;
	_ =	sdelay $0x1  }
0xa1: {  	s23 =	simm.s32 $0x1B8B  }
0xa2: {  	_ =	swait.ge [sflag:s23], $0x1  }
0xa3: {  	[sflag:s23] =	ssyncset.done $0x0  }
0xa4: {  	s25 =	simm.s32 $0x1B8E;
	s24 =	sld [smem:$0x3FFE];
	[sflag:s23] =	ssyncadd.s32 $0xFFFFFFFF  }
0xa5: {  	s26 =	simm.s32 $execute0_lowered;
	[smem:$0x3FD2] =	sst s25  }
0xa6: {  	s5 =	sshll.u32 s26, $0x1;
	_ =	strace $0x80000049;
	[dreg:$0x1] =	wrdreg $0xFFFFFFFF  }
0xa7: {  	s28 =	simm.s32 $_size_execute0_lowered;
	s3 =	sadd.s32 s3, s5;
	[dreg:$0x0] =	wrdreg $0x0  }
0xa8: {  	s5 =	sshll.u32 s28, $0x1;
	[dreg:$0x2] =	wrdreg s3  }
0xa9: {  	[dreg:$0x3] =	wrdreg s5  }
0xaa: {  	[dreg:$0x4] =	wrdreg $0xC0  }
0xab: {  	_ =	task [dreg:s7], $0x5FFFF  }
0xac: {  	[dreg:$0x1] =	wrdreg $0xFFFFFFFF  }
0xad: {  	[dreg:$0x0] =	wrdreg $0x60  }
0xae: {  	[dreg:$0x2] =	wrdreg s24  }
0xaf: {  	[dreg:$0x3] =	wrdreg s2  }
0xb0: {  	[dreg:$0x4] =	wrdreg $0xC0000  }
0xb1: {  	[dreg:$0x5] =	wrdreg $0x9  }
0xb2: {  	_ =	task.clear_ibuf [dreg:s7], $0x6FFFF;
	_ =	strace $0x90000049  }
0xb3: {  	s29 =	simm.s32 $0x9;
	_ =	strace $0x8000004B  }
0xb4: {  	_ =	swait.ge [sflag:s29], $0x1  }
0xb5: {  	[sflag:s29] =	ssyncadd.s32 $0xFFFFFFFF  }
0xb6: {  	_ =	strace $0x9000004B  }
0xb7: {  	_ =	sfence  }
0xb8: {  	s30 =	sld [smem:$0x0];
	_ =	sdelay $0x2  }
0xb9: {  	s31 =	sshll.u32 s1, $0xD;
	s1 =	sshrl.u32 s1, $0x2  }
0xba: {  	s3 =	sand.u32 $0x4000, s31;
	s1 =	sadd.s32 s1, s30  }
0xbb: {  	s0 =	sor.u32 s3, s0;
	s1 =	sshll.u32 s1, $0x11  }
0xbc: {  	s0 =	sor.u32 s1, s0  }
0xbd: {  	s0 =	sadd.s32 $0x8F2B, s0  }
0xbe: {  	[sflag:s0] =	ssyncadd.remote.s32 $0x1  }
0xbf: {  	_ =	sfence.sel $0xFFFF  }
0xc0: {  	[dreg:$0x0] =	wrdreg $0xFFFFFFFF;
	(pc) =	sbr.abs _section_cstart, $3  }
0xc1: {  	[dreg:$0x1] =	wrdreg $0xFFFFFFFF  }
0xc2: {  	_ =	task.clear_ibuf [dreg:s7], $0x2FFFF;
	_ =	strace $0x9FFFFFFF  }
0xc3: {  	(tm) =	ssettm $0x7FFFFFFF  }
tec
execute0_lowered:
.L_overlay_start_1:
0x0: {  	(tag) =	ssettag $0x1  }
0x1: {  	s5 =	rddreg [dreg:$0x0]  }
0x2: {  	s7 =	rddreg [dreg:$0x1]  }
0x3: {  	s1 =	rddreg [dreg:$0x2];
	s2 =	simm.s32 $0x0  }
0x4: {  	s3 =	srdreg.scid;
	s15 =	simm.s32 $0x2000;
	s16 =	simm.s32 $0x4000  }
0x5: {  	s17 =	simm.s32 $0x4;
	s18 =	simm.s32 $0x1;
	s19 =	simm.s32 $0x2080  }
0x6: {  	s20 =	simm.s32 $0x8000;
	s21 =	simm.s32 $0x2;
	s22 =	simm.s32 $0x80  }
0x7: {  	s23 =	simm.s32 $0x0;
	[smem:$0x7FF] =	sst s2;
	s6 =	sand.u32 $0x1, s3  }
0x8: {  	s3 =	stileid.u32;
	s4 =	sadd.s32 $0x6800, s5;
	s8 =	smul.u32 $0x13C000, s6  }
0x9: {  	_ =	strace $0x8000004A;
	s9 =	sshll.u32 s3, $0x8;
	s10 =	smul.u32 $0x13C00, s3  }
0xa: {  	p0 =	seq.s32 s6, $0x0;
	s29 =	smul.u32 $0x4F000, s3;
	s6 =	ssub.s32 $0x2, s6  }
0xb: {  	s11 =	sshll.u32 s3, $0xA;
	s9 =	sor.u32 $0x4000, s9;
	s30 =	sshrl.u32 s6, $0x1  }
0xc: {  	s9 =	smov.u32 @p0 s11;
	s8 =	sadd.s32 s10, s8;
	s31 =	sshrl.u32 s29, $0x2  }
0xd: {  	s13 =	ssub.s32 s6, s30;
	s11 =	sadd.s32 s9, s5;
	s8 =	sshrl.u32 s8, $0x3  }
0xe: {  	s6 =	sadd.s32 s31, s1;
	s7 =	sadd.s32 s7, s9;
	s9 =	simm.s32 $0x20  }
0xf: {  	s12 =	sadd.s32 s8, s5;
	s5 =	sadd.s32 $0x1400, s11;
	s8 =	sadd.s32 $0x10000, s6  }
0x10: {  	s9 =	simm.s32 @!p0 $0x8;
	s11 =	smax.u32 s13, $0x1;
	s13 =	sadd.s32 $0x8000, s6  }
0x11: {  	v0 =	vimm.f32 $0.0e+00;
	s14 =	sadd.s32 $0xC000, s6;
	s10 =	sadd.s32 $0x2ECC00, s12;
	s12 =	sadd.s32 $0x4000, s6  }
.LBB2_1:
0x12: {  	[tilespmem:s15], [sflag:$0x1] =	stream.linear.gather [hbm4b:s5+s2], $0x2000, $0x38;
	[tilespmem:$0x1FC00] =	vst v63  }
0x13: {  	s24 =	simm.s32 $0x0;
	s25 =	simm.s32 $0x200  }
0x14: {  	[tilespmem:s2], [sflag:$0x1] =	stream.linear.gather [hbm4b:s7+s2], $0x2000, $0x38;
	[tilespmem:$0x1FC00] =	vst v63  }
.LBB2_2:
0x15: {  	p0 =	sne.s32 s25, $0xFE00;
	[tilespmem:s24+$0x4070] =	vst v0  }
0x16: {  	[tilespmem:s24+$0x4000] =	vst v0  }
0x17: {  	[tilespmem:s24+$0x4010] =	vst v0  }
.Ltmp0:
0x18: {  	[tilespmem:s24+$0x4020] =	vst v0;
	(pc) =	sbr.rel @p0 .LBB2_2-.Ltmp0, $4  }
0x19: {  	[tilespmem:s24+$0x4030] =	vst v0  }
0x1a: {  	[tilespmem:s24+$0x4040] =	vst v0  }
0x1b: {  	[tilespmem:s24+$0x4050] =	vst v0  }
0x1c: {  	[tilespmem:s24+$0x4060] =	vst v0;
	s24 =	sshra.s32 s25, $0x2;
	s25 =	sadd.s32 $0x200, s25  }
0x1d: {  	[tilespmem:s24+$0x4070] =	vst v0  }
0x1e: {  	[tilespmem:s24+$0x4000] =	vst v0  }
0x1f: {  	[tilespmem:s24+$0x4010] =	vst v0  }
0x20: {  	[tilespmem:s24+$0x4020] =	vst v0  }
0x21: {  	[tilespmem:s24+$0x4030] =	vst v0  }
0x22: {  	[tilespmem:s24+$0x4040] =	vst v0  }
0x23: {  	[tilespmem:s24+$0x4050] =	vst v0  }
0x24: {  	[tilespmem:s24+$0x4060] =	vst v0  }
0x25: {  	[spmem:s6] =	stream.linear.scatter [tilespmem:s16], [sflag:$0x4], $0x4000, $0x38;
	[tilespmem:$0x1FC00] =	vst v63  }
0x26: {  	_ =	swait.ge [sflag:s17], $0x4000  }
0x27: {  	[sflag:s17] =	ssyncset.done $0x0  }
0x28: {  	[sflag:s17] =	ssyncadd.s32 $0xFFFFC000  }
0x29: {  	[spmem:s12] =	stream.linear.scatter [tilespmem:s16], [sflag:$0x4], $0x4000, $0x38;
	[tilespmem:$0x1FC00] =	vst v63  }
0x2a: {  	_ =	swait.ge [sflag:s17], $0x4000  }
0x2b: {  	[sflag:s17] =	ssyncset.done $0x0  }
0x2c: {  	[sflag:s17] =	ssyncadd.s32 $0xFFFFC000  }
0x2d: {  	[spmem:s13] =	stream.linear.scatter [tilespmem:s16], [sflag:$0x4], $0x4000, $0x38;
	[tilespmem:$0x1FC00] =	vst v63  }
0x2e: {  	_ =	swait.ge [sflag:s17], $0x4000  }
0x2f: {  	[sflag:s17] =	ssyncset.done $0x0  }
0x30: {  	[sflag:s17] =	ssyncadd.s32 $0xFFFFC000  }
0x31: {  	[spmem:s14] =	stream.linear.scatter [tilespmem:s16], [sflag:$0x4], $0x4000, $0x38;
	[tilespmem:$0x1FC00] =	vst v63  }
0x32: {  	_ =	swait.ge [sflag:s17], $0x4000  }
0x33: {  	[sflag:s17] =	ssyncset.done $0x0  }
0x34: {  	[sflag:s17] =	ssyncadd.s32 $0xFFFFC000  }
0x35: {  	[spmem:s8] =	stream.linear.scatter [tilespmem:s16], [sflag:$0x4], $0x3C00, $0x38;
	[tilespmem:$0x1FC00] =	vst v63  }
0x36: {  	_ =	swait.ge [sflag:s17], $0x3C00  }
0x37: {  	[sflag:s17] =	ssyncset.done $0x0  }
0x38: {  	[sflag:s17] =	ssyncadd.s32 $0xFFFFC400  }
0x39: {  	_ =	swait.ge [sflag:s18], $0x2000  }
0x3a: {  	[sflag:s18] =	ssyncset.done $0x0  }
0x3b: {  	[sflag:s18] =	ssyncadd.s32 $0xFFFFE000  }
0x3c: {  	_ =	swait.ge [sflag:s18], $0x2000  }
0x3d: {  	[sflag:s18] =	ssyncset.done $0x0  }
0x3e: {  	[sflag:s18] =	ssyncadd.s32 $0xFFFFE000  }
0x3f: {  	s24 =	simm.s32 $0x80;
	[bflag:$0x0] =	sbarrier.arrive $0xFFFF  }
0x40: {  	[tilespmem:s16], [sflag:$0x2] =	stream.indirect.gather [hbm4b:s4+s24], $0x80, s15, s24, $0xb8;
	[tilespmem:$0x1FC00] =	vst v63  }
0x41: {  	_ = 	snop  }
0x42: {  	[tilespmem:s20], [sflag:$0x3] =	stream.indirect.gather [hbm4b:s4+s24], $0x80, s19, s24, $0xb8;
	[tilespmem:$0x1FC00] =	vst v63  }
0x43: {  	_ =	swait.ge [sflag:s21], $0x4000  }
0x44: {  	[sflag:s21] =	ssyncset.done $0x0  }
0x45: {  	s25 =	simm.s32 $0x0;
	[sflag:s21] =	ssyncadd.s32 $0xFFFFC000  }
0x46: {  	[spmem:s1] =	stream.indirect.scatter.add.f32 [tilespmem:s16], [sflag:$0x4], $0x80, s25, s22, $0xb8;
	[tilespmem:$0x1FC00] =	vst v63  }
0x47: {  	_ =	swait.ge [sflag:s17], $0x4000  }
0x48: {  	p0 =	sle.u32 s9, $0x1;
	[sflag:s17] =	ssyncset.done $0x0  }
0x49: {  	s25 =	simm.s32 @p0 $0x3;
	[sflag:s17] =	ssyncadd.s32 $0xFFFFC000  }
0x4a: {  	_ =	swait.ge @p0 [sflag:s25], $0x4000  }
0x4b: {  	s26 =	simm.s32 @p0 $0x4;
	[sflag:s25] =	ssyncset.done @p0 $0x0  }
0x4c: {  	s28 =	simm.s32 @p0 $0x8000;
	[sflag:s25] =	ssyncadd.s32 @p0 $0xFFFFC000;
	s25 =	simm.s32 @p0 $0x80  }
0x4d: {  	[spmem:s1] =	stream.indirect.scatter.add.f32 @p0 [tilespmem:s28], [sflag:$0x4], $0x80, s24, s25, $0xb8;
	[tilespmem:$0x1FC00] =	vst v63  }
0x4e: {  	_ =	swait.ge @p0 [sflag:s26], $0x4000  }
0x4f: {  	s29 =	simm.s32 @!p0 $0x80;
	s25 =	simm.s32 @!p0 $0x4000;
	[sflag:s26] =	ssyncset.done @p0 $0x0  }
0x50: {  	s28 =	simm.s32 @!p0 $0x3;
	[sflag:s26] =	ssyncadd.s32 @p0 $0xFFFFC000;
	s26 =	simm.s32 @!p0 $0x2100  }
0x51: {  	[tilespmem:s25], [sflag:$0x2] =	stream.indirect.gather @!p0 [hbm4b:s4+s29], $0x80, s26, s29, $0xb8;
	[tilespmem:$0x1FC00] =	vst v63  }
0x52: {  	_ =	swait.ge @!p0 [sflag:s28], $0x4000  }
0x53: {  	p1 =	sne.s32 s9, $0x1;
	s30 =	simm.s32 @!p0 $0x8000;
	[sflag:s28] =	ssyncset.done @!p0 $0x0  }
.Ltmp1:
0x54: {  	s26 =	simm.s32 @!p0 $0x4;
	[sflag:s28] =	ssyncadd.s32 @!p0 $0xFFFFC000;
	(pc) =	sbr.rel @!p1 .LBB2_5-.Ltmp1, $4  }
0x55: {  	[spmem:s1] =	stream.indirect.scatter.add.f32 @!p0 [tilespmem:s30], [sflag:$0x4], $0x80, s24, s29, $0xb8;
	[tilespmem:$0x1FC00] =	vst v63  }
0x56: {  	_ =	swait.ge @!p0 [sflag:s26], $0x4000  }
0x57: {  	s25 =	simm.s32 $0x2180;
	s28 =	simm.s32 $0x180;
	[sflag:s26] =	ssyncset.done @!p0 $0x0  }
0x58: {  	s24 =	simm.s32 $0x1;
	[sflag:s26] =	ssyncadd.s32 @!p0 $0xFFFFC000;
	s26 =	simm.s32 $0x2280  }
.LBB2_4:
0x59: {  	[tilespmem:s30], [sflag:$0x3] =	stream.indirect.gather @!p0 [hbm4b:s4+s29], $0x80, s25, s29, $0xb8;
	[tilespmem:$0x1FC00] =	vst v63  }
0x5a: {  	s24 =	sadd.s32 $0x1, s24;
	s25 =	smov.u32 s26;
	_ =	swait.ge [sflag:s21], $0x4000  }
0x5b: {  	p1 =	sne.s32 s9, s24;
	[sflag:s21] =	ssyncset.done $0x0  }
0x5c: {  	s29 =	sadd.s32 $0xFFFFFF80, s28;
	[sflag:s21] =	ssyncadd.s32 $0xFFFFC000  }
0x5d: {  	[spmem:s1] =	stream.indirect.scatter.add.f32 [tilespmem:s16], [sflag:$0x4], $0x80, s29, s22, $0xb8;
	[tilespmem:$0x1FC00] =	vst v63  }
0x5e: {  	_ =	swait.ge [sflag:s17], $0x4000  }
0x5f: {  	p0 =	sge.u32 s24, s9;
	[sflag:s17] =	ssyncset.done $0x0  }
0x60: {  	s29 =	simm.s32 @p0 $0x3;
	[sflag:s17] =	ssyncadd.s32 $0xFFFFC000  }
0x61: {  	_ =	swait.ge @p0 [sflag:s29], $0x4000  }
0x62: {  	s30 =	simm.s32 @p0 $0x4;
	[sflag:s29] =	ssyncset.done @p0 $0x0  }
0x63: {  	s31 =	simm.s32 @p0 $0x8000;
	[sflag:s29] =	ssyncadd.s32 @p0 $0xFFFFC000;
	s29 =	simm.s32 @p0 $0x80  }
0x64: {  	[spmem:s1] =	stream.indirect.scatter.add.f32 @p0 [tilespmem:s31], [sflag:$0x4], $0x80, s28, s29, $0xb8;
	[tilespmem:$0x1FC00] =	vst v63  }
0x65: {  	_ =	swait.ge @p0 [sflag:s30], $0x4000  }
0x66: {  	s0 =	simm.s32 @!p0 $0x3;
	s31 =	simm.s32 @!p0 $0x4000;
	[sflag:s30] =	ssyncset.done @p0 $0x0  }
0x67: {  	s29 =	simm.s32 @!p0 $0x80;
	[sflag:s30] =	ssyncadd.s32 @p0 $0xFFFFC000;
	s30 =	sadd.s32 @!p0 $0xFFFFFF80, s26  }
0x68: {  	[tilespmem:s31], [sflag:$0x2] =	stream.indirect.gather @!p0 [hbm4b:s4+s29], $0x80, s30, s29, $0xb8;
	[tilespmem:$0x1FC00] =	vst v63  }
0x69: {  	_ =	swait.ge @!p0 [sflag:s0], $0x4000  }
0x6a: {  	s31 =	simm.s32 @!p0 $0x4;
	[sflag:s0] =	ssyncset.done @!p0 $0x0  }
.Ltmp2:
0x6b: {  	s30 =	simm.s32 @!p0 $0x8000;
	[sflag:s0] =	ssyncadd.s32 @!p0 $0xFFFFC000;
	(pc) =	sbr.rel @p1 .LBB2_4-.Ltmp2, $4  }
0x6c: {  	[spmem:s1] =	stream.indirect.scatter.add.f32 @!p0 [tilespmem:s30], [sflag:$0x4], $0x80, s28, s29, $0xb8;
	[tilespmem:$0x1FC00] =	vst v63  }
0x6d: {  	_ =	swait.ge @!p0 [sflag:s31], $0x4000  }
0x6e: {  	[sflag:s31] =	ssyncset.done @!p0 $0x0  }
0x6f: {  	s26 =	sadd.s32 $0x100, s26;
	s28 =	sadd.s32 $0x100, s28;
	[sflag:s31] =	ssyncadd.s32 @!p0 $0xFFFFC000  }
.LBB2_5:
0x70: {  	[tilespmem:s30], [sflag:$0x3] =	stream.indirect.gather @!p0 [hbm4b:s4+s29], $0x80, s25, s29, $0xb8;
	[tilespmem:$0x1FC00] =	vst v63  }
0x71: {  	s23 =	sadd.s32 $0x1, s23  }
0x72: {  	s0 =	sshll.u32 s3, $0x6;
	s24 =	sshrl.u32 s6, $0x3;
	p0 =	sne.s32 s23, s11  }
.Ltmp3:
0x73: {  	[bflag:$0x0] =	sbarrier.arrive $0xFFFF;
	s0 =	sor.u32 $0x1C04, s0;
	(pc) =	sbr.rel @p0 .LBB2_1-.Ltmp3, $4  }
0x74: {  	[hbm:s10], [sflag:s0] =	dma.local [spmem:s24], $0x2780  }
0x75: {  	_ =	swait.ge [sflag:s17], $0x2780  }
0x76: {  	[sflag:s17] =	ssyncset.done $0x0  }
0x77: {  	[sflag:s17] =	ssyncadd.s32 $0xFFFFD880  }
0x78: {  	_ =	sfence.sel $0x180000  }
0x79: {  	[bflag:$0x0] =	sbarrier.arrive $0xFFFF  }
0x7a: {  	_ =	strace $0x9000004A  }
0x7b: {  	[bflag:$0x2] =	sbarrier.arrive $0xFFFF  }
0x7c: {  	p0 =	sne.s32 s3, $0x0;
	s0 =	rddreg [dreg:$0x3]  }
0x7d: {  	s0 =	sadd.s32 @!p0 $0x100000, s0  }
0x7e: {  	[sflag:s0] =	ssyncadd.tile.s32 @!p0 $0x1;
	_ =	shalt  }
.Lfunc_end2:
_tile_overlayer_lowered:
.L_overlay_start_2:
0x7f: {  	(tag) =	ssettag $0x2  }
0x80: {  	s0 =	rddreg [dreg:$0x0];
	s2 =	stileid.u32  }
0x81: {  	s1 =	rddreg [dreg:$0x1];
	p0 =	sne.s32 s2, $0x0  }
0x82: {  	s3 =	rddreg [dreg:$0x2];
	[bflag:$0x3] =	sbarrier.arrive $0xFFFF;
	s2 =	simm.s32 @!p0 $0x1C04  }
0x83: {  	[timem:s3], [sflag:s2] =	dma.local @!p0 [hbm:s0], s1  }
0x84: {  	s0 =	simm.s32 @!p0 $0x4  }
0x85: {  	_ =	swait.ge @!p0 [sflag:s0], s1  }
0x86: {  	s1 =	ssub.s32 @!p0 $0x0, s1;
	[sflag:s0] =	ssyncset.done @!p0 $0x0  }
0x87: {  	[sflag:s0] =	ssyncadd.s32 @!p0 s1  }
0x88: {  	[bflag:$0x3] =	sbarrier.arrive $0xFFFF  }
0x89: {  	_ =	shalt  }

// kernel: kernel.8.cloned.1.call-start
scs
__scs_entry_jumppad:
0x0: {  	(pc) =	sbr.rel $0x88, $3  }
0x1: {  	(tag) =	ssettag $0x0;
	lr =	simm.s32 $0x1  }
0x2: {  	[smem:$0x3F98] =	sst lr;
	_ =	strace $0xD0000000  }
0x3: {  	_ = 	snop  }
0x4: {  	_ = 	snop  }
0x5: {  	_ = 	snop  }
0x6: {  	_ = 	snop  }
0x7: {  	_ = 	snop  }
__scs_overlays_trampoline_lowered:
0x8: {  	[smem:$0x3FA7] =	sst s0  }
0x9: {  	[smem:$0x3FA8] =	sst s1  }
0xa: {  	[smem:$0x3FA9] =	sst s2  }
0xb: {  	[smem:$0x3FAA] =	sst s3  }
0xc: {  	[smem:$0x3FAB] =	sst s4  }
0xd: {  	[smem:$0x3FAC] =	sst s5  }
0xe: {  	[smem:$0x3FAD] =	sst s6  }
0xf: {  	[smem:$0x3FAE] =	sst s7  }
0x10: {  	[smem:$0x3FAF] =	sst s8  }
0x11: {  	[smem:$0x3FB0] =	sst s9;
	s0 =	simm.s32 @!p0 $0x0  }
0x12: {  	s1 =	sld [smem:$0x3F96];
	s0 =	simm.s32 @p0 $0x1  }
0x13: {  	[smem:$0x3FB1] =	sst s0;
	s0 =	simm.s32 @!p1 $0x0  }
0x14: {  	s2 =	sld [smem:$0x3F95];
	s0 =	simm.s32 @p1 $0x1  }
0x15: {  	[smem:$0x3FB2] =	sst s0;
	s0 =	simm.s32 @!p2 $0x0  }
0x16: {  	s3 =	sld [smem:$0x3FDB];
	s0 =	simm.s32 @p2 $0x1  }
0x17: {  	s4 =	simm.s32 $0x1BF5;
	[smem:$0x3FB4] =	sst s0  }
0x18: {  	s0 =	sld [smem:$0x3F97];
	_ =	swait.ge [sflag:s4], $0x0  }
0x19: {  	s7 =	sld [smem:$0x3F98]  }
0x1a: {  	s8 =	sadd.s32 $0xFFFFE003, lr  }
0x1b: {  	s9 =	sadd.s32 $0xFFFFFEF7, lr;
	s5 =	simm.s32 $0xFFFFFFFF;
	p2 =	slt.u32 s8, $0xFFFFF086  }
0x1c: {  	p1 =	slt.u32 s9, $0xF7A;
	s5 =	simm.s32 @!p2 $0x0  }
0x1d: {  	s5 =	simm.s32 @p1 $0x1;
	p0 =	seq.s32 s7, s2  }
0x1e: {  	s7 =	smul.u32 @!p0 $0xF7A, s2;
	p2 =	seq.s32 @!p0 s5, $0x0  }
0x1f: {  	s9 =	smul.u32 $0xF7A, s1;
	s8 =	simm.s32 @!p0 $0x1BF5;
	p2 =	por !p2, p0  }
0x20: {  	[sflag:s8] =	ssyncset.s32 @!p0 $0xFFFFF086;
	s6 =	sadd.s32 @!p0 s3, s7;
	s7 =	simm.s32 @!p0 $0x108  }
0x21: {  	s3 =	sadd.s32 s3, s9;
	s6 =	sadd.s32 @!p0 $0x88, s6;
	s7 =	simm.s32 @p2 $0x1082  }
0x22: {  	[simem:s7], [sflag:s8] =	dma.local @!p0 [hbm:s6], $0xF7A  }
0x23: {  	s9 =	sor.u32 $0xD0000000, s2;
	s6 =	simm.s32 $0x108;
	_ =	swait.ge @!p0 [sflag:s8], $0x0  }
0x24: {  	s3 =	sadd.s32 $0x88, s3;
	s6 =	simm.s32 @!p1 $0x1082;
	[sflag:s4] =	ssyncset.s32 $0xFFFFF086  }
0x25: {  	[simem:s6], [sflag:s4] =	dma.local [hbm:s3], $0xF7A  }
0x26: {  	[smem:$0x3F98] =	sst s1;
	(tag) =	ssettag s2;
	_ =	strace s9  }
0x27: {  	s1 =	sld [smem:$0x3FA8]  }
0x28: {  	s2 =	sld [smem:$0x3FA9]  }
0x29: {  	s4 =	sld [smem:$0x3FAB]  }
0x2a: {  	p0 =	seq.s32 s5, $0x0;
	s5 =	sld [smem:$0x3FAC]  }
0x2b: {  	s6 =	sld [smem:$0x3FAD]  }
0x2c: {  	s7 =	sld [smem:$0x3FAE]  }
0x2d: {  	s3 =	simm.s32 $0x108;
	s8 =	sld [smem:$0x3FAF]  }
0x2e: {  	s3 =	simm.s32 @!p0 $0x1082;
	s9 =	sld [smem:$0x3FB0]  }
0x2f: {  	lr =	sadd.s32 s0, s3;
	s0 =	sld [smem:$0x3FA7]  }
0x30: {  	s3 =	sld [smem:$0x3FAA]  }
0x31: {  	[smem:$0x3FB3] =	sst s10  }
0x32: {  	s10 =	sld [smem:$0x3FB1];
	_ =	sdelay $0x3  }
0x33: {  	p0 =	seq.s32 s10, $0x1;
	s10 =	sld [smem:$0x3FB3];
	_ =	sdelay $0x3  }
0x34: {  	[smem:$0x3FB3] =	sst s10  }
0x35: {  	s10 =	sld [smem:$0x3FB2];
	_ =	sdelay $0x3  }
0x36: {  	p1 =	seq.s32 s10, $0x1;
	s10 =	sld [smem:$0x3FB3];
	_ =	sdelay $0x3  }
0x37: {  	[smem:$0x3FB3] =	sst s10  }
0x38: {  	s10 =	sld [smem:$0x3FB4]  }
0x39: {  	_ = 	snop;
	(pc) =	sbr.ind lr, $3  }
0x3a: {  	_ = 	snop  }
0x3b: {  	_ = 	snop  }
0x3c: {  	p2 =	seq.s32 s10, $0x1;
	s10 =	sld [smem:$0x3FB3]  }
0x3d: {  	_ =	shalt  }
0x3e: {  	_ =	shalt  }
0x3f: {  	_ =	shalt  }
0x40: {  	_ =	shalt  }
0x41: {  	_ =	shalt  }
0x42: {  	_ =	shalt  }
0x43: {  	_ =	shalt  }
0x44: {  	_ =	shalt  }
0x45: {  	_ =	shalt  }
0x46: {  	_ =	shalt  }
0x47: {  	_ =	shalt  }
0x48: {  	_ =	shalt  }
0x49: {  	_ =	shalt  }
0x4a: {  	_ =	shalt  }
0x4b: {  	_ =	shalt  }
0x4c: {  	_ =	shalt  }
0x4d: {  	_ =	shalt  }
0x4e: {  	_ =	shalt  }
0x4f: {  	_ =	shalt  }
0x50: {  	_ =	shalt  }
0x51: {  	_ =	shalt  }
0x52: {  	_ =	shalt  }
0x53: {  	_ =	shalt  }
0x54: {  	_ =	shalt  }
0x55: {  	_ =	shalt  }
0x56: {  	_ =	shalt  }
0x57: {  	_ =	shalt  }
0x58: {  	_ =	shalt  }
0x59: {  	_ =	shalt  }
0x5a: {  	_ =	shalt  }
0x5b: {  	_ =	shalt  }
0x5c: {  	_ =	shalt  }
0x5d: {  	_ =	shalt  }
0x5e: {  	_ =	shalt  }
0x5f: {  	_ =	shalt  }
0x60: {  	_ =	shalt  }
0x61: {  	_ =	shalt  }
0x62: {  	_ =	shalt  }
0x63: {  	_ =	shalt  }
0x64: {  	_ =	shalt  }
0x65: {  	_ =	shalt  }
0x66: {  	_ =	shalt  }
0x67: {  	_ =	shalt  }
0x68: {  	_ =	shalt  }
0x69: {  	_ =	shalt  }
0x6a: {  	_ =	shalt  }
0x6b: {  	_ =	shalt  }
0x6c: {  	_ =	shalt  }
0x6d: {  	_ =	shalt  }
0x6e: {  	_ =	shalt  }
0x6f: {  	_ =	shalt  }
0x70: {  	_ =	shalt  }
0x71: {  	_ =	shalt  }
0x72: {  	_ =	shalt  }
0x73: {  	_ =	shalt  }
0x74: {  	_ =	shalt  }
0x75: {  	_ =	shalt  }
0x76: {  	_ =	shalt  }
0x77: {  	_ =	shalt  }
0x78: {  	_ =	shalt  }
0x79: {  	_ =	shalt  }
0x7a: {  	_ =	shalt  }
0x7b: {  	_ =	shalt  }
0x7c: {  	_ =	shalt  }
0x7d: {  	_ =	shalt  }
0x7e: {  	_ =	shalt  }
0x7f: {  	_ =	shalt  }
0x80: {  	_ =	shalt  }
0x81: {  	_ =	shalt  }
0x82: {  	_ =	shalt  }
0x83: {  	_ =	shalt  }
0x84: {  	_ =	shalt  }
0x85: {  	_ =	shalt  }
0x86: {  	_ =	shalt  }
0x87: {  	_ =	shalt  }
.Lfunc_end0:
.L_simem_size_0:
called_computation_lowered:
.L_overlay_start_0:
0x88: {  	s2 =	sld [smem:$0x3FD9]  }
0x89: {  	s3 =	sld [smem:$0x3FFE];
	_ =	sdelay $0x1  }
0x8a: {  	s1 =	srdreg.scid  }
0x8b: {  	s0 =	sand.u32 $0x1, s1  }
0x8c: {  	s17 =	sshll.u32 s0, $0xA;
	s2 =	sadd.s32 s3, s2  }
0x8d: {  	s2 =	sadd.s32 s2, s17  }
0x8e: {  	[smem:$0x3FBF] =	sst s2  }
0x8f: {  	_ = 	snop  }
0x90: {  	s2 =	sld [smem:$0x3FD0];
	(tm) =	ssettm $0x1  }
0x91: {  	s18 =	sld [smem:$0x3FFB];
	_ =	sdelay $0x3  }
0x92: {  	_ =	strace s18  }
0x93: {  	s3 =	sld [smem:$0x3FFC];
	_ =	sdelay $0x3  }
0x94: {  	_ =	strace s3  }
0x95: {  	s3 =	sld [smem:$0x3FFD];
	_ =	sdelay $0x3  }
0x96: {  	_ =	strace s3  }
0x97: {  	_ =	strace $0x8FFFFFFF  }
0x98: {  	s19 =	sld [smem:$0x3FDB];
	_ =	sdelay $0x1  }
0x99: {  	s4 =	simm.s32 $_scs_section_size  }
0x9a: {  	s5 =	simm.s32 $_size__tile_overlayer_lowered;
	s6 =	simm.s32 $_tile_overlayer_lowered  }
0x9b: {  	s22 =	simm.s32 $0x1BFF;
	s21 =	sshll.u32 s6, $0x1;
	s3 =	sadd.s32 s4, s19  }
0x9c: {  	s7 =	simm.s32 $0x0;
	s20 =	sshll.u32 s5, $0x1;
	s5 =	sadd.s32 s21, s3  }
0x9d: {  	[timem:s7], [sflag:s22] =	dma.local [hbm:s5], s20  }
0x9e: {  	_ =	swait.ge [sflag:s22], s20  }
0x9f: {  	s4 =	ssub.s32 $0x0, s20;
	[sflag:s22] =	ssyncset.done $0x0  }
0xa0: {  	[sflag:s22] =	ssyncadd.s32 s4;
	_ =	sdelay $0x1  }
0xa1: {  	s23 =	simm.s32 $0x1B8B  }
0xa2: {  	_ =	swait.ge [sflag:s23], $0x1  }
0xa3: {  	[sflag:s23] =	ssyncset.done $0x0  }
0xa4: {  	s25 =	simm.s32 $0x1B8E;
	s24 =	sld [smem:$0x3FFE];
	[sflag:s23] =	ssyncadd.s32 $0xFFFFFFFF  }
0xa5: {  	s26 =	simm.s32 $execute0_lowered;
	[smem:$0x3FD2] =	sst s25  }
0xa6: {  	s5 =	sshll.u32 s26, $0x1;
	_ =	strace $0x80000046;
	[dreg:$0x1] =	wrdreg $0xFFFFFFFF  }
0xa7: {  	s28 =	simm.s32 $_size_execute0_lowered;
	s3 =	sadd.s32 s3, s5;
	[dreg:$0x0] =	wrdreg $0x0  }
0xa8: {  	s5 =	sshll.u32 s28, $0x1;
	[dreg:$0x2] =	wrdreg s3  }
0xa9: {  	[dreg:$0x3] =	wrdreg s5  }
0xaa: {  	[dreg:$0x4] =	wrdreg $0xC0  }
0xab: {  	_ =	task [dreg:s7], $0x5FFFF  }
0xac: {  	[dreg:$0x1] =	wrdreg $0xFFFFFFFF  }
0xad: {  	[dreg:$0x0] =	wrdreg $0x60  }
0xae: {  	[dreg:$0x2] =	wrdreg s24  }
0xaf: {  	[dreg:$0x3] =	wrdreg s2  }
0xb0: {  	[dreg:$0x4] =	wrdreg $0xC0000  }
0xb1: {  	[dreg:$0x5] =	wrdreg $0x9  }
0xb2: {  	_ =	task.clear_ibuf [dreg:s7], $0x6FFFF;
	_ =	strace $0x90000046  }
0xb3: {  	s29 =	simm.s32 $0x9;
	_ =	strace $0x80000048  }
0xb4: {  	_ =	swait.ge [sflag:s29], $0x1  }
0xb5: {  	[sflag:s29] =	ssyncadd.s32 $0xFFFFFFFF  }
0xb6: {  	_ =	strace $0x90000048  }
0xb7: {  	_ =	sfence  }
0xb8: {  	s30 =	sld [smem:$0x0];
	_ =	sdelay $0x2  }
0xb9: {  	s31 =	sshll.u32 s1, $0xD;
	s1 =	sshrl.u32 s1, $0x2  }
0xba: {  	s3 =	sand.u32 $0x4000, s31;
	s1 =	sadd.s32 s1, s30  }
0xbb: {  	s0 =	sor.u32 s3, s0;
	s1 =	sshll.u32 s1, $0x11  }
0xbc: {  	s0 =	sor.u32 s1, s0  }
0xbd: {  	s0 =	sadd.s32 $0x8F2B, s0  }
0xbe: {  	[sflag:s0] =	ssyncadd.remote.s32 $0x1  }
0xbf: {  	_ =	sfence.sel $0xFFFF  }
0xc0: {  	[dreg:$0x0] =	wrdreg $0xFFFFFFFF;
	(pc) =	sbr.abs _section_cstart, $3  }
0xc1: {  	[dreg:$0x1] =	wrdreg $0xFFFFFFFF  }
0xc2: {  	_ =	task.clear_ibuf [dreg:s7], $0x2FFFF;
	_ =	strace $0x9FFFFFFF  }
0xc3: {  	(tm) =	ssettm $0x7FFFFFFF  }
tec
execute0_lowered:
.L_overlay_start_1:
0x0: {  	(tag) =	ssettag $0x1  }
0x1: {  	s5 =	rddreg [dreg:$0x0]  }
0x2: {  	s7 =	rddreg [dreg:$0x1]  }
0x3: {  	s1 =	rddreg [dreg:$0x2];
	s2 =	simm.s32 $0x0  }
0x4: {  	s3 =	srdreg.scid;
	s15 =	simm.s32 $0x2000;
	s16 =	simm.s32 $0x4000  }
0x5: {  	s17 =	simm.s32 $0x4;
	s18 =	simm.s32 $0x1;
	s19 =	simm.s32 $0x2080  }
0x6: {  	s20 =	simm.s32 $0x8000;
	s21 =	simm.s32 $0x2;
	s22 =	simm.s32 $0x80  }
0x7: {  	s23 =	simm.s32 $0x0;
	[smem:$0x7FF] =	sst s2;
	s6 =	sand.u32 $0x1, s3  }
0x8: {  	s3 =	stileid.u32;
	s4 =	sadd.s32 $0x6800, s5;
	s8 =	smul.u32 $0x13C000, s6  }
0x9: {  	_ =	strace $0x80000047;
	s9 =	sshll.u32 s3, $0x8;
	s10 =	smul.u32 $0x13C00, s3  }
0xa: {  	p0 =	seq.s32 s6, $0x0;
	s29 =	smul.u32 $0x4F000, s3;
	s6 =	ssub.s32 $0x2, s6  }
0xb: {  	s11 =	sshll.u32 s3, $0xA;
	s9 =	sor.u32 $0x4000, s9;
	s30 =	sshrl.u32 s6, $0x1  }
0xc: {  	s9 =	smov.u32 @p0 s11;
	s8 =	sadd.s32 s10, s8;
	s31 =	sshrl.u32 s29, $0x2  }
0xd: {  	s13 =	ssub.s32 s6, s30;
	s11 =	sadd.s32 s9, s5;
	s8 =	sshrl.u32 s8, $0x3  }
0xe: {  	s6 =	sadd.s32 s31, s1;
	s7 =	sadd.s32 s7, s9;
	s9 =	simm.s32 $0x20  }
0xf: {  	s12 =	sadd.s32 s8, s5;
	s5 =	sadd.s32 $0x1400, s11;
	s8 =	sadd.s32 $0x10000, s6  }
0x10: {  	s9 =	simm.s32 @!p0 $0x8;
	s11 =	smax.u32 s13, $0x1;
	s13 =	sadd.s32 $0x8000, s6  }
0x11: {  	v0 =	vimm.f32 $0.0e+00;
	s14 =	sadd.s32 $0xC000, s6;
	s10 =	sadd.s32 $0x2ECC00, s12;
	s12 =	sadd.s32 $0x4000, s6  }
.LBB2_1:
0x12: {  	[tilespmem:s15], [sflag:$0x1] =	stream.linear.gather [hbm4b:s5+s2], $0x2000, $0x38;
	[tilespmem:$0x1FC00] =	vst v63  }
0x13: {  	s24 =	simm.s32 $0x0;
	s25 =	simm.s32 $0x200  }
0x14: {  	[tilespmem:s2], [sflag:$0x1] =	stream.linear.gather [hbm4b:s7+s2], $0x2000, $0x38;
	[tilespmem:$0x1FC00] =	vst v63  }
.LBB2_2:
0x15: {  	p0 =	sne.s32 s25, $0xFE00;
	[tilespmem:s24+$0x4070] =	vst v0  }
0x16: {  	[tilespmem:s24+$0x4000] =	vst v0  }
0x17: {  	[tilespmem:s24+$0x4010] =	vst v0  }
.Ltmp0:
0x18: {  	[tilespmem:s24+$0x4020] =	vst v0;
	(pc) =	sbr.rel @p0 .LBB2_2-.Ltmp0, $4  }
0x19: {  	[tilespmem:s24+$0x4030] =	vst v0  }
0x1a: {  	[tilespmem:s24+$0x4040] =	vst v0  }
0x1b: {  	[tilespmem:s24+$0x4050] =	vst v0  }
0x1c: {  	[tilespmem:s24+$0x4060] =	vst v0;
	s24 =	sshra.s32 s25, $0x2;
	s25 =	sadd.s32 $0x200, s25  }
0x1d: {  	[tilespmem:s24+$0x4070] =	vst v0  }
0x1e: {  	[tilespmem:s24+$0x4000] =	vst v0  }
0x1f: {  	[tilespmem:s24+$0x4010] =	vst v0  }
0x20: {  	[tilespmem:s24+$0x4020] =	vst v0  }
0x21: {  	[tilespmem:s24+$0x4030] =	vst v0  }
0x22: {  	[tilespmem:s24+$0x4040] =	vst v0  }
0x23: {  	[tilespmem:s24+$0x4050] =	vst v0  }
0x24: {  	[tilespmem:s24+$0x4060] =	vst v0  }
0x25: {  	[spmem:s6] =	stream.linear.scatter [tilespmem:s16], [sflag:$0x4], $0x4000, $0x38;
	[tilespmem:$0x1FC00] =	vst v63  }
0x26: {  	_ =	swait.ge [sflag:s17], $0x4000  }
0x27: {  	[sflag:s17] =	ssyncset.done $0x0  }
0x28: {  	[sflag:s17] =	ssyncadd.s32 $0xFFFFC000  }
0x29: {  	[spmem:s12] =	stream.linear.scatter [tilespmem:s16], [sflag:$0x4], $0x4000, $0x38;
	[tilespmem:$0x1FC00] =	vst v63  }
0x2a: {  	_ =	swait.ge [sflag:s17], $0x4000  }
0x2b: {  	[sflag:s17] =	ssyncset.done $0x0  }
0x2c: {  	[sflag:s17] =	ssyncadd.s32 $0xFFFFC000  }
0x2d: {  	[spmem:s13] =	stream.linear.scatter [tilespmem:s16], [sflag:$0x4], $0x4000, $0x38;
	[tilespmem:$0x1FC00] =	vst v63  }
0x2e: {  	_ =	swait.ge [sflag:s17], $0x4000  }
0x2f: {  	[sflag:s17] =	ssyncset.done $0x0  }
0x30: {  	[sflag:s17] =	ssyncadd.s32 $0xFFFFC000  }
0x31: {  	[spmem:s14] =	stream.linear.scatter [tilespmem:s16], [sflag:$0x4], $0x4000, $0x38;
	[tilespmem:$0x1FC00] =	vst v63  }
0x32: {  	_ =	swait.ge [sflag:s17], $0x4000  }
0x33: {  	[sflag:s17] =	ssyncset.done $0x0  }
0x34: {  	[sflag:s17] =	ssyncadd.s32 $0xFFFFC000  }
0x35: {  	[spmem:s8] =	stream.linear.scatter [tilespmem:s16], [sflag:$0x4], $0x3C00, $0x38;
	[tilespmem:$0x1FC00] =	vst v63  }
0x36: {  	_ =	swait.ge [sflag:s17], $0x3C00  }
0x37: {  	[sflag:s17] =	ssyncset.done $0x0  }
0x38: {  	[sflag:s17] =	ssyncadd.s32 $0xFFFFC400  }
0x39: {  	_ =	swait.ge [sflag:s18], $0x2000  }
0x3a: {  	[sflag:s18] =	ssyncset.done $0x0  }
0x3b: {  	[sflag:s18] =	ssyncadd.s32 $0xFFFFE000  }
0x3c: {  	_ =	swait.ge [sflag:s18], $0x2000  }
0x3d: {  	[sflag:s18] =	ssyncset.done $0x0  }
0x3e: {  	[sflag:s18] =	ssyncadd.s32 $0xFFFFE000  }
0x3f: {  	s24 =	simm.s32 $0x80;
	[bflag:$0x0] =	sbarrier.arrive $0xFFFF  }
0x40: {  	[tilespmem:s16], [sflag:$0x2] =	stream.indirect.gather [hbm4b:s4+s24], $0x80, s15, s24, $0xb8;
	[tilespmem:$0x1FC00] =	vst v63  }
0x41: {  	_ = 	snop  }
0x42: {  	[tilespmem:s20], [sflag:$0x3] =	stream.indirect.gather [hbm4b:s4+s24], $0x80, s19, s24, $0xb8;
	[tilespmem:$0x1FC00] =	vst v63  }
0x43: {  	_ =	swait.ge [sflag:s21], $0x4000  }
0x44: {  	[sflag:s21] =	ssyncset.done $0x0  }
0x45: {  	s25 =	simm.s32 $0x0;
	[sflag:s21] =	ssyncadd.s32 $0xFFFFC000  }
0x46: {  	[spmem:s1] =	stream.indirect.scatter.add.f32 [tilespmem:s16], [sflag:$0x4], $0x80, s25, s22, $0xb8;
	[tilespmem:$0x1FC00] =	vst v63  }
0x47: {  	_ =	swait.ge [sflag:s17], $0x4000  }
0x48: {  	p0 =	sle.u32 s9, $0x1;
	[sflag:s17] =	ssyncset.done $0x0  }
0x49: {  	s25 =	simm.s32 @p0 $0x3;
	[sflag:s17] =	ssyncadd.s32 $0xFFFFC000  }
0x4a: {  	_ =	swait.ge @p0 [sflag:s25], $0x4000  }
0x4b: {  	s26 =	simm.s32 @p0 $0x4;
	[sflag:s25] =	ssyncset.done @p0 $0x0  }
0x4c: {  	s28 =	simm.s32 @p0 $0x8000;
	[sflag:s25] =	ssyncadd.s32 @p0 $0xFFFFC000;
	s25 =	simm.s32 @p0 $0x80  }
0x4d: {  	[spmem:s1] =	stream.indirect.scatter.add.f32 @p0 [tilespmem:s28], [sflag:$0x4], $0x80, s24, s25, $0xb8;
	[tilespmem:$0x1FC00] =	vst v63  }
0x4e: {  	_ =	swait.ge @p0 [sflag:s26], $0x4000  }
0x4f: {  	s29 =	simm.s32 @!p0 $0x80;
	s25 =	simm.s32 @!p0 $0x4000;
	[sflag:s26] =	ssyncset.done @p0 $0x0  }
0x50: {  	s28 =	simm.s32 @!p0 $0x3;
	[sflag:s26] =	ssyncadd.s32 @p0 $0xFFFFC000;
	s26 =	simm.s32 @!p0 $0x2100  }
0x51: {  	[tilespmem:s25], [sflag:$0x2] =	stream.indirect.gather @!p0 [hbm4b:s4+s29], $0x80, s26, s29, $0xb8;
	[tilespmem:$0x1FC00] =	vst v63  }
0x52: {  	_ =	swait.ge @!p0 [sflag:s28], $0x4000  }
0x53: {  	p1 =	sne.s32 s9, $0x1;
	s30 =	simm.s32 @!p0 $0x8000;
	[sflag:s28] =	ssyncset.done @!p0 $0x0  }
.Ltmp1:
0x54: {  	s26 =	simm.s32 @!p0 $0x4;
	[sflag:s28] =	ssyncadd.s32 @!p0 $0xFFFFC000;
	(pc) =	sbr.rel @!p1 .LBB2_5-.Ltmp1, $4  }
0x55: {  	[spmem:s1] =	stream.indirect.scatter.add.f32 @!p0 [tilespmem:s30], [sflag:$0x4], $0x80, s24, s29, $0xb8;
	[tilespmem:$0x1FC00] =	vst v63  }
0x56: {  	_ =	swait.ge @!p0 [sflag:s26], $0x4000  }
0x57: {  	s25 =	simm.s32 $0x2180;
	s28 =	simm.s32 $0x180;
	[sflag:s26] =	ssyncset.done @!p0 $0x0  }
0x58: {  	s24 =	simm.s32 $0x1;
	[sflag:s26] =	ssyncadd.s32 @!p0 $0xFFFFC000;
	s26 =	simm.s32 $0x2280  }
.LBB2_4:
0x59: {  	[tilespmem:s30], [sflag:$0x3] =	stream.indirect.gather @!p0 [hbm4b:s4+s29], $0x80, s25, s29, $0xb8;
	[tilespmem:$0x1FC00] =	vst v63  }
0x5a: {  	s24 =	sadd.s32 $0x1, s24;
	s25 =	smov.u32 s26;
	_ =	swait.ge [sflag:s21], $0x4000  }
0x5b: {  	p1 =	sne.s32 s9, s24;
	[sflag:s21] =	ssyncset.done $0x0  }
0x5c: {  	s29 =	sadd.s32 $0xFFFFFF80, s28;
	[sflag:s21] =	ssyncadd.s32 $0xFFFFC000  }
0x5d: {  	[spmem:s1] =	stream.indirect.scatter.add.f32 [tilespmem:s16], [sflag:$0x4], $0x80, s29, s22, $0xb8;
	[tilespmem:$0x1FC00] =	vst v63  }
0x5e: {  	_ =	swait.ge [sflag:s17], $0x4000  }
0x5f: {  	p0 =	sge.u32 s24, s9;
	[sflag:s17] =	ssyncset.done $0x0  }
0x60: {  	s29 =	simm.s32 @p0 $0x3;
	[sflag:s17] =	ssyncadd.s32 $0xFFFFC000  }
0x61: {  	_ =	swait.ge @p0 [sflag:s29], $0x4000  }
0x62: {  	s30 =	simm.s32 @p0 $0x4;
	[sflag:s29] =	ssyncset.done @p0 $0x0  }
0x63: {  	s31 =	simm.s32 @p0 $0x8000;
	[sflag:s29] =	ssyncadd.s32 @p0 $0xFFFFC000;
	s29 =	simm.s32 @p0 $0x80  }
0x64: {  	[spmem:s1] =	stream.indirect.scatter.add.f32 @p0 [tilespmem:s31], [sflag:$0x4], $0x80, s28, s29, $0xb8;
	[tilespmem:$0x1FC00] =	vst v63  }
0x65: {  	_ =	swait.ge @p0 [sflag:s30], $0x4000  }
0x66: {  	s0 =	simm.s32 @!p0 $0x3;
	s31 =	simm.s32 @!p0 $0x4000;
	[sflag:s30] =	ssyncset.done @p0 $0x0  }
0x67: {  	s29 =	simm.s32 @!p0 $0x80;
	[sflag:s30] =	ssyncadd.s32 @p0 $0xFFFFC000;
	s30 =	sadd.s32 @!p0 $0xFFFFFF80, s26  }
0x68: {  	[tilespmem:s31], [sflag:$0x2] =	stream.indirect.gather @!p0 [hbm4b:s4+s29], $0x80, s30, s29, $0xb8;
	[tilespmem:$0x1FC00] =	vst v63  }
0x69: {  	_ =	swait.ge @!p0 [sflag:s0], $0x4000  }
0x6a: {  	s31 =	simm.s32 @!p0 $0x4;
	[sflag:s0] =	ssyncset.done @!p0 $0x0  }
.Ltmp2:
0x6b: {  	s30 =	simm.s32 @!p0 $0x8000;
	[sflag:s0] =	ssyncadd.s32 @!p0 $0xFFFFC000;
	(pc) =	sbr.rel @p1 .LBB2_4-.Ltmp2, $4  }
0x6c: {  	[spmem:s1] =	stream.indirect.scatter.add.f32 @!p0 [tilespmem:s30], [sflag:$0x4], $0x80, s28, s29, $0xb8;
	[tilespmem:$0x1FC00] =	vst v63  }
0x6d: {  	_ =	swait.ge @!p0 [sflag:s31], $0x4000  }
0x6e: {  	[sflag:s31] =	ssyncset.done @!p0 $0x0  }
0x6f: {  	s26 =	sadd.s32 $0x100, s26;
	s28 =	sadd.s32 $0x100, s28;
	[sflag:s31] =	ssyncadd.s32 @!p0 $0xFFFFC000  }
.LBB2_5:
0x70: {  	[tilespmem:s30], [sflag:$0x3] =	stream.indirect.gather @!p0 [hbm4b:s4+s29], $0x80, s25, s29, $0xb8;
	[tilespmem:$0x1FC00] =	vst v63  }
0x71: {  	s23 =	sadd.s32 $0x1, s23  }
0x72: {  	s0 =	sshll.u32 s3, $0x6;
	s24 =	sshrl.u32 s6, $0x3;
	p0 =	sne.s32 s23, s11  }
.Ltmp3:
0x73: {  	[bflag:$0x0] =	sbarrier.arrive $0xFFFF;
	s0 =	sor.u32 $0x1C04, s0;
	(pc) =	sbr.rel @p0 .LBB2_1-.Ltmp3, $4  }
0x74: {  	[hbm:s10], [sflag:s0] =	dma.local [spmem:s24], $0x2780  }
0x75: {  	_ =	swait.ge [sflag:s17], $0x2780  }
0x76: {  	[sflag:s17] =	ssyncset.done $0x0  }
0x77: {  	[sflag:s17] =	ssyncadd.s32 $0xFFFFD880  }
0x78: {  	_ =	sfence.sel $0x180000  }
0x79: {  	[bflag:$0x0] =	sbarrier.arrive $0xFFFF  }
0x7a: {  	_ =	strace $0x90000047  }
0x7b: {  	[bflag:$0x2] =	sbarrier.arrive $0xFFFF  }
0x7c: {  	p0 =	sne.s32 s3, $0x0;
	s0 =	rddreg [dreg:$0x3]  }
0x7d: {  	s0 =	sadd.s32 @!p0 $0x100000, s0  }
0x7e: {  	[sflag:s0] =	ssyncadd.tile.s32 @!p0 $0x1;
	_ =	shalt  }
.Lfunc_end2:
_tile_overlayer_lowered:
.L_overlay_start_2:
0x7f: {  	(tag) =	ssettag $0x2  }
0x80: {  	s0 =	rddreg [dreg:$0x0];
	s2 =	stileid.u32  }
0x81: {  	s1 =	rddreg [dreg:$0x1];
	p0 =	sne.s32 s2, $0x0  }
0x82: {  	s3 =	rddreg [dreg:$0x2];
	[bflag:$0x3] =	sbarrier.arrive $0xFFFF;
	s2 =	simm.s32 @!p0 $0x1C04  }
0x83: {  	[timem:s3], [sflag:s2] =	dma.local @!p0 [hbm:s0], s1  }
0x84: {  	s0 =	simm.s32 @!p0 $0x4  }
0x85: {  	_ =	swait.ge @!p0 [sflag:s0], s1  }
0x86: {  	s1 =	ssub.s32 @!p0 $0x0, s1;
	[sflag:s0] =	ssyncset.done @!p0 $0x0  }
0x87: {  	[sflag:s0] =	ssyncadd.s32 @!p0 s1  }
0x88: {  	[bflag:$0x3] =	sbarrier.arrive $0xFFFF  }
0x89: {  	_ =	shalt  }

</sc_bundles>
